<compile_context>
chip_gen: v7x
topology: tpu7x:2x2x1
jax: 0.10.2.dev20260603
libtpu: 0.0.44.dev20260713+nightly
codegen_flags: <defaults>
</compile_context>

<pallas_src>
import functools

import jax
import jax.numpy as jnp
from jax import lax
from jax.experimental import pallas as pl
from jax.experimental.pallas import tpu as pltpu
from jax.experimental.pallas import tpu_sc as plsc

BATCH = 4096
SEQ = 200
VOCAB = 100000
EMBED = 128
CLS = 20
CP = 32
NC, NS = 2, 16
NW = NC * NS
ROWS_PER_W = BATCH // NW
CHUNK_ROWS = 4
CHUNK_TOK = CHUNK_ROWS * SEQ
SEQP = 256
CHUNK_TOKP = CHUNK_ROWS * SEQP
NCHUNKS = ROWS_PER_W // CHUNK_ROWS
W_TOKP = ROWS_PER_W * SEQP
FOLD_R = 5000


def _fold_body(e0, e1, e2, e3, w_ref, o_ref):
    i = pl.program_id(0)
    lane = lax.broadcasted_iota(jnp.int32, (FOLD_R, CP), 1)
    row = lax.broadcasted_iota(jnp.int32, (FOLD_R, CP), 0)

    def mm(e_ref, j):
        g = lax.dot_general(
            e_ref[...], w_ref[...], (((1,), (1,)), ((), ())),
            preferred_element_type=jnp.float32)
        if j == 0:
            ind = jnp.where((lane == CLS) & ((row + i * FOLD_R) != 0),
                            1.0, 0.0)
        else:
            ind = jnp.where(lane == CLS, 1.0, 0.0)
        return g + ind

    o_ref[...] = jnp.concatenate(
        [mm(e0, 0), mm(e1, 1), mm(e2, 2), mm(e3, 3)], axis=1)


def _fold(embed, wp):
    q = VOCAB // 4 // FOLD_R
    return pl.pallas_call(
        _fold_body,
        grid=(q,),
        in_specs=[
            pl.BlockSpec((FOLD_R, EMBED), lambda i, j=j: (j * q + i, 0))
            for j in range(4)
        ] + [pl.BlockSpec((CP, EMBED), lambda i: (0, 0))],
        out_specs=pl.BlockSpec((FOLD_R, 4 * CP), lambda i: (i, 0)),
        out_shape=jax.ShapeDtypeStruct((VOCAB // 4, 4 * CP), jnp.float32),
    )(embed, embed, embed, embed, wp)


def _sc_pool(x_flat, folded, bp):
    mesh = plsc.VectorSubcoreMesh(
        core_axis_name="c", subcore_axis_name="s",
        num_cores=NC, num_subcores=NS)

    @functools.partial(
        pl.kernel,
        out_type=jax.ShapeDtypeStruct((BATCH, CP), jnp.float32),
        mesh=mesh,
        compiler_params=pltpu.CompilerParams(
            needs_layout_passes=False, use_tc_tiling_on_sc=False),
        scratch_types=[
            pltpu.VMEM((W_TOKP,), jnp.int32),
            pltpu.VMEM((CHUNK_TOK, CP), jnp.float32),
            pltpu.VMEM((CHUNK_TOK, CP), jnp.float32),
            pltpu.VMEM((ROWS_PER_W, CP), jnp.float32),
            pltpu.VMEM((CP,), jnp.float32),
            pltpu.VMEM((16,), jnp.float32),
            pltpu.SemaphoreType.DMA,
            pltpu.SemaphoreType.DMA,
            pltpu.SemaphoreType.DMA,
            pltpu.SemaphoreType.DMA,
        ],
    )
    def body(x_hbm, folded_hbm, b_hbm, out_hbm, idx_v, rows_v0,
             rows_v1, out_v, b_v, recip_v, sem0, sem0b, sem1, sem1b):
        wid = lax.axis_index("s") * NC + lax.axis_index("c")
        pltpu.sync_copy(b_hbm, b_v)
        pltpu.sync_copy(x_hbm.at[pl.ds(wid * W_TOKP, W_TOKP)], idx_v)
        b0 = b_v[pl.ds(0, 16)]
        b1 = b_v[pl.ds(16, 16)]
        zeros16i = jnp.zeros((16,), jnp.int32)

        def stage(c):
            cb = c * CHUNK_TOKP

            def stage_body(i, carry):
                for u in range(2):
                    v = idx_v[pl.ds(cb + i * 32 + u * 16, 16)]
                    one = jnp.int32(1)
                    zero = jnp.int32(0)
                    q = (jnp.where(v >= VOCAB // 4, one, zero)
                         + jnp.where(v >= VOCAB // 2, one, zero)
                         + jnp.where(v >= 3 * (VOCAB // 4), one, zero))
                    p = (v - q * (VOCAB // 4)) * 4 + q
                    idx_v[pl.ds(cb + i * 32 + u * 16, 16)] = p
                return carry

            lax.fori_loop(0, CHUNK_TOKP // 32, stage_body, 0)

        def _segs(c, rows_v, sems):
            return [
                pltpu.make_async_copy(
                    folded_hbm.at[idx_v.at[pl.ds(c * CHUNK_TOKP + r * SEQP,
                                                 SEQ)]],
                    rows_v.at[pl.ds(r * SEQ, SEQ)], sems[r % 2])
                for r in range(CHUNK_ROWS)
            ]

        def start_gather(c, rows_v, sems):
            for cp in _segs(c, rows_v, sems):
                cp.start()

        def process(c, rows_v, sems):
            for cp in _segs(c, rows_v, sems):
                cp.wait()

            def tok_body(t, carry):
                accs = []
                for r in range(CHUNK_ROWS):
                    accs.append(carry[2 * r] + rows_v[r * SEQ + t, 0:16])
                    accs.append(carry[2 * r + 1] + rows_v[r * SEQ + t, 16:32])
                return tuple(accs)

            init = tuple(
                jnp.zeros((16,), jnp.float32) for _ in range(2 * CHUNK_ROWS))
            res = lax.fori_loop(0, SEQ, tok_body, init)
            for r in range(CHUNK_ROWS):
                row = c * CHUNK_ROWS + r
                recip_v[...] = res[2 * r + 1]
                rsp = 1.0 / plsc.load_gather(recip_v, [zeros16i + (CLS - 16)])
                out_v[row, 0:16] = res[2 * r] * rsp + b0
                out_v[row, 16:32] = res[2 * r + 1] * rsp + b1

        stage(0)
        start_gather(0, rows_v0, (sem0, sem0b))
        stage(1)

        def super_body(g, carry):
            start_gather(2 * g + 1, rows_v1, (sem1, sem1b))

            @pl.when(g < NCHUNKS // 2 - 1)
            def _():
                stage(2 * g + 2)

            process(2 * g, rows_v0, (sem0, sem0b))

            @pl.when(g < NCHUNKS // 2 - 1)
            def _():
                start_gather(2 * g + 2, rows_v0, (sem0, sem0b))
                stage(2 * g + 3)

            process(2 * g + 1, rows_v1, (sem1, sem1b))
            return carry

        lax.fori_loop(0, NCHUNKS // 2, super_body, 0)
        pltpu.sync_copy(out_v, out_hbm.at[pl.ds(wid * ROWS_PER_W,
                                                ROWS_PER_W)])

    return body(x_flat, folded, bp)


def kernel(X, embed_weight, W, b):
    xp = jnp.pad(X.astype(jnp.int32), ((0, 0), (0, SEQP - SEQ)))
    x_flat = xp.reshape(BATCH * SEQP)
    wp = jnp.zeros((CP, EMBED), jnp.float32).at[:CLS].set(W)
    bp = jnp.zeros((CP,), jnp.float32).at[:CLS].set(b)
    folded = _fold(embed_weight, wp).reshape(VOCAB, CP)
    out = _sc_pool(x_flat, folded, bp)
    return out[:, :CLS]

# --- scband reference (transcript-rebuilt; emitter-appended) ---
"""Pipeline reference for scband-text-classifier-61675730370783 (READ-ONLY COPY).

The authoritative reference and input builder live on the scoring server;
editing this copy changes nothing except your own understanding.
"""

import jax, jax.numpy as jnp
import numpy as np

VOCAB = 100000
EMBED_DIM = 128
NUM_CLASSES = 20
PAD_IDX = 0
BATCH = 4096
SEQ = 200


def setup_inputs(seed: int = 0) -> dict:
    key = jax.random.key(seed)
    k1, k2, k3 = jax.random.split(key, 3)
    X = jax.random.randint(k1, (BATCH, SEQ), 0, VOCAB, dtype=jnp.int64)
    embed_weight = jax.random.normal(k2, (VOCAB, EMBED_DIM), dtype=jnp.float32) * 0.02
    # padding_idx row is zero-initialized in torch nn.Embedding
    embed_weight = embed_weight.at[PAD_IDX].set(0.0)
    W = jax.random.normal(k3, (NUM_CLASSES, EMBED_DIM), dtype=jnp.float32) * 0.02
    b = jnp.zeros((NUM_CLASSES,), dtype=jnp.float32)
    return {"X": X, "embed_weight": embed_weight, "W": W, "b": b}


def reference(X, embed_weight, W, b):
    # mask = X != padding_idx, unsqueezed on last dim
    mask = (X != PAD_IDX)[..., None].astype(jnp.float32)  # [B, S, 1]
    # embedding lookup (gather)
    emb = jnp.take(embed_weight, X, axis=0)  # [B, S, D]
    # masked mean pooling over sequence dim
    pooled = (emb * mask).sum(axis=1) / mask.sum(axis=1)  # [B, D]
    # linear classifier
    out = pooled @ W.T + b  # [B, num_classes]
    return out

if __name__ == "__main__":
    import jax
    _d = setup_inputs()
    print(jax.jit(kernel)(*tuple(_d.values())))

</pallas_src>

<mosaic_0001>
#map = affine_map<(d0, d1) -> (0)>
#map1 = affine_map<(d0, d1) -> (0, 0)>
module attributes {stable_mosaic.version = 14 : i64} {
  func.func @body(%arg0: i32, %arg1: i32, %arg2: memref<1048576xi32, #tpu.memory_space<hbm>>, %arg3: memref<100000x32xf32, #tpu.memory_space<hbm>>, %arg4: memref<32xf32, #tpu.memory_space<hbm>>, %arg5: memref<4096x32xf32, #tpu.memory_space<hbm>>, %arg6: memref<32768xi32, #tpu.memory_space<vmem>>, %arg7: memref<800x32xf32, #tpu.memory_space<vmem>>, %arg8: memref<800x32xf32, #tpu.memory_space<vmem>>, %arg9: memref<128x32xf32, #tpu.memory_space<vmem>>, %arg10: memref<32xf32, #tpu.memory_space<vmem>>, %arg11: memref<16xf32, #tpu.memory_space<vmem>>, %arg12: memref<!tpu.dma_semaphore, #tpu.memory_space<semaphore_mem>>, %arg13: memref<!tpu.dma_semaphore, #tpu.memory_space<semaphore_mem>>, %arg14: memref<!tpu.dma_semaphore, #tpu.memory_space<semaphore_mem>>, %arg15: memref<!tpu.dma_semaphore, #tpu.memory_space<semaphore_mem>>) attributes {dimension_semantics = [#tpu.dimension_semantics<core_parallel>, #tpu.dimension_semantics<subcore_parallel>], iteration_bounds = array<i64: 2, 16>, scalar_prefetch = 0 : i64, scratch_operands = 10 : i64, tpu.core_type = #tpu.core_type<sc_vector_subcore>, window_params = [{transform_indices = #map}, {transform_indices = #map1}, {transform_indices = #map}, {transform_indices = #map1}]} {
    %mul3A = arith.constant 2 : i32
    %mul3A_0 = arith.muli %arg1, %mul3A : i32
    %add3A = arith.addi %mul3A_0, %arg0 : i32
    "tpu.region"() ({
      %run_scoped3A = tpu.sem_alloc : memref<!tpu.dma_semaphore, #tpu.memory_space<semaphore_mem>>
      tpu.enqueue_dma source(%arg4 : memref<32xf32, #tpu.memory_space<hbm>>) target(%arg10 : memref<32xf32, #tpu.memory_space<vmem>>) target_semaphore(%run_scoped3A : memref<!tpu.dma_semaphore, #tpu.memory_space<semaphore_mem>>)
      tpu.wait_dma2 semaphore(%run_scoped3A : memref<!tpu.dma_semaphore, #tpu.memory_space<semaphore_mem>>) src(%arg4 : memref<32xf32, #tpu.memory_space<hbm>>) dst(%arg10 : memref<32xf32, #tpu.memory_space<vmem>>)
      tpu.yield
    }) : () -> ()
    %mul3A_1 = arith.constant 32768 : i32
    %mul3A_2 = arith.muli %add3A, %mul3A_1 : i32
    "tpu.region"() ({
      %run_scoped3A = tpu.sem_alloc : memref<!tpu.dma_semaphore, #tpu.memory_space<semaphore_mem>>
      %dma_start3A_57 = tpu.memref_slice %arg2[%mul3A_2] : memref<1048576xi32, #tpu.memory_space<hbm>> -> memref<32768xi32, #tpu.memory_space<hbm>>
      %dma_start3A_58 = tpu.memref_slice %arg2[%mul3A_2] : memref<1048576xi32, #tpu.memory_space<hbm>> -> memref<32768xi32, #tpu.memory_space<hbm>>
      tpu.enqueue_dma source(%dma_start3A_58 : memref<32768xi32, #tpu.memory_space<hbm>>) target(%arg6 : memref<32768xi32, #tpu.memory_space<vmem>>) target_semaphore(%run_scoped3A : memref<!tpu.dma_semaphore, #tpu.memory_space<semaphore_mem>>)
      %dma_wait3A = tpu.memref_slice %arg2[%mul3A_2] : memref<1048576xi32, #tpu.memory_space<hbm>> -> memref<32768xi32, #tpu.memory_space<hbm>>
      %dma_wait3A_59 = tpu.memref_slice %arg2[%mul3A_2] : memref<1048576xi32, #tpu.memory_space<hbm>> -> memref<32768xi32, #tpu.memory_space<hbm>>
      tpu.wait_dma2 semaphore(%run_scoped3A : memref<!tpu.dma_semaphore, #tpu.memory_space<semaphore_mem>>) src(%dma_wait3A_59 : memref<32768xi32, #tpu.memory_space<hbm>>) dst(%arg6 : memref<32768xi32, #tpu.memory_space<vmem>>)
      tpu.yield
    }) : () -> ()
    %get3A = arith.constant 0 : index
    %get3A_3 = tpu.vector_load %arg10[%get3A] {strides = array<i32>} : memref<32xf32, #tpu.memory_space<vmem>>, vector<16xf32>,
    %get3A_4 = arith.constant 16 : index
    %get3A_5 = tpu.vector_load %arg10[%get3A_4] {strides = array<i32>} : memref<32xf32, #tpu.memory_space<vmem>>, vector<16xf32>,
    %broadcast_in_dim3A = arith.constant 0 : i32
    %broadcast_in_dim3A_6 = vector.broadcast %broadcast_in_dim3A : i32 to vector<16xi32>
    %scan3A = arith.constant 0 : i32
    %scan3A_7 = arith.constant 0 : i32
    %scan3A_8 = arith.constant 32 : i32
    %scan3A_9 = arith.addi %scan3A_7, %scan3A_8 : i32
    %scan3A_10 = arith.constant 1 : i32
    scf.for %scan3A_57 = %scan3A_7 to %scan3A_9 step %scan3A_10  : i32 {
      %mul3A_58 = arith.constant 32 : i32
      %mul3A_59 = arith.muli %scan3A_57, %mul3A_58 : i32
      %add3A_60 = arith.constant 0 : i32
      %add3A_61 = arith.addi %add3A_60, %mul3A_59 : i32
      %add3A_62 = arith.constant 0 : i32
      %add3A_63 = arith.addi %add3A_61, %add3A_62 : i32
      %get3A_64 = arith.index_cast %add3A_63 : i32 to index
      %get3A_65 = tpu.vector_load %arg6[%get3A_64] {strides = array<i32>} : memref<32768xi32, #tpu.memory_space<vmem>>, vector<16xi32>,
      %ge3A = arith.constant 25000 : i32
      %ge3A_66 = vector.broadcast %ge3A : i32 to vector<16xi32>
      %ge3A_67 = arith.cmpi sge, %get3A_65, %ge3A_66 : vector<16xi32>
      %jit3A = arith.constant 1 : i32
      %jit3A_68 = arith.constant 0 : i32
      %broadcast_in_dim3A_69 = vector.broadcast %jit3A : i32 to vector<16xi32>
      %broadcast_in_dim3A_70 = vector.broadcast %jit3A_68 : i32 to vector<16xi32>
      %select_n3A = arith.select %ge3A_67, %broadcast_in_dim3A_69, %broadcast_in_dim3A_70 : vector<16xi1>, vector<16xi32>
      %ge3A_71 = arith.constant 50000 : i32
      %ge3A_72 = vector.broadcast %ge3A_71 : i32 to vector<16xi32>
      %ge3A_73 = arith.cmpi sge, %get3A_65, %ge3A_72 : vector<16xi32>
      %jit3A_74 = arith.constant 1 : i32
      %jit3A_75 = arith.constant 0 : i32
      %broadcast_in_dim3A_76 = vector.broadcast %jit3A_74 : i32 to vector<16xi32>
      %broadcast_in_dim3A_77 = vector.broadcast %jit3A_75 : i32 to vector<16xi32>
      %select_n3A_78 = arith.select %ge3A_73, %broadcast_in_dim3A_76, %broadcast_in_dim3A_77 : vector<16xi1>, vector<16xi32>
      %add3A_79 = arith.addi %select_n3A, %select_n3A_78 : vector<16xi32>
      %ge3A_80 = arith.constant 75000 : i32
      %ge3A_81 = vector.broadcast %ge3A_80 : i32 to vector<16xi32>
      %ge3A_82 = arith.cmpi sge, %get3A_65, %ge3A_81 : vector<16xi32>
      %jit3A_83 = arith.constant 1 : i32
      %jit3A_84 = arith.constant 0 : i32
      %broadcast_in_dim3A_85 = vector.broadcast %jit3A_83 : i32 to vector<16xi32>
      %broadcast_in_dim3A_86 = vector.broadcast %jit3A_84 : i32 to vector<16xi32>
      %select_n3A_87 = arith.select %ge3A_82, %broadcast_in_dim3A_85, %broadcast_in_dim3A_86 : vector<16xi1>, vector<16xi32>
      %add3A_88 = arith.addi %add3A_79, %select_n3A_87 : vector<16xi32>
      %mul3A_89 = arith.constant 25000 : i32
      %mul3A_90 = vector.broadcast %mul3A_89 : i32 to vector<16xi32>
      %mul3A_91 = arith.muli %add3A_88, %mul3A_90 : vector<16xi32>
      %sub3A = arith.subi %get3A_65, %mul3A_91 : vector<16xi32>
      %mul3A_92 = arith.constant 4 : i32
      %mul3A_93 = vector.broadcast %mul3A_92 : i32 to vector<16xi32>
      %mul3A_94 = arith.muli %sub3A, %mul3A_93 : vector<16xi32>
      %add3A_95 = arith.addi %mul3A_94, %add3A_88 : vector<16xi32>
      %mul3A_96 = arith.constant 32 : i32
      %mul3A_97 = arith.muli %scan3A_57, %mul3A_96 : i32
      %add3A_98 = arith.constant 0 : i32
      %add3A_99 = arith.addi %add3A_98, %mul3A_97 : i32
      %add3A_100 = arith.constant 0 : i32
      %add3A_101 = arith.addi %add3A_99, %add3A_100 : i32
      %swap3A = arith.index_cast %add3A_101 : i32 to index
      %swap3A_102 = tpu.vector_load %arg6[%swap3A] {strides = array<i32>} : memref<32768xi32, #tpu.memory_space<vmem>>, vector<16xi32>,
      tpu.vector_store %arg6[%swap3A], %add3A_95 {strides = array<i32>} : memref<32768xi32, #tpu.memory_space<vmem>>, vector<16xi32>,
      %mul3A_103 = arith.constant 32 : i32
      %mul3A_104 = arith.muli %scan3A_57, %mul3A_103 : i32
      %add3A_105 = arith.constant 0 : i32
      %add3A_106 = arith.addi %add3A_105, %mul3A_104 : i32
      %add3A_107 = arith.constant 16 : i32
      %add3A_108 = arith.addi %add3A_106, %add3A_107 : i32
      %get3A_109 = arith.index_cast %add3A_108 : i32 to index
      %get3A_110 = tpu.vector_load %arg6[%get3A_109] {strides = array<i32>} : memref<32768xi32, #tpu.memory_space<vmem>>, vector<16xi32>,
      %ge3A_111 = arith.constant 25000 : i32
      %ge3A_112 = vector.broadcast %ge3A_111 : i32 to vector<16xi32>
      %ge3A_113 = arith.cmpi sge, %get3A_110, %ge3A_112 : vector<16xi32>
      %jit3A_114 = arith.constant 1 : i32
      %jit3A_115 = arith.constant 0 : i32
      %broadcast_in_dim3A_116 = vector.broadcast %jit3A_114 : i32 to vector<16xi32>
      %broadcast_in_dim3A_117 = vector.broadcast %jit3A_115 : i32 to vector<16xi32>
      %select_n3A_118 = arith.select %ge3A_113, %broadcast_in_dim3A_116, %broadcast_in_dim3A_117 : vector<16xi1>, vector<16xi32>
      %ge3A_119 = arith.constant 50000 : i32
      %ge3A_120 = vector.broadcast %ge3A_119 : i32 to vector<16xi32>
      %ge3A_121 = arith.cmpi sge, %get3A_110, %ge3A_120 : vector<16xi32>
      %jit3A_122 = arith.constant 1 : i32
      %jit3A_123 = arith.constant 0 : i32
      %broadcast_in_dim3A_124 = vector.broadcast %jit3A_122 : i32 to vector<16xi32>
      %broadcast_in_dim3A_125 = vector.broadcast %jit3A_123 : i32 to vector<16xi32>
      %select_n3A_126 = arith.select %ge3A_121, %broadcast_in_dim3A_124, %broadcast_in_dim3A_125 : vector<16xi1>, vector<16xi32>
      %add3A_127 = arith.addi %select_n3A_118, %select_n3A_126 : vector<16xi32>
      %ge3A_128 = arith.constant 75000 : i32
      %ge3A_129 = vector.broadcast %ge3A_128 : i32 to vector<16xi32>
      %ge3A_130 = arith.cmpi sge, %get3A_110, %ge3A_129 : vector<16xi32>
      %jit3A_131 = arith.constant 1 : i32
      %jit3A_132 = arith.constant 0 : i32
      %broadcast_in_dim3A_133 = vector.broadcast %jit3A_131 : i32 to vector<16xi32>
      %broadcast_in_dim3A_134 = vector.broadcast %jit3A_132 : i32 to vector<16xi32>
      %select_n3A_135 = arith.select %ge3A_130, %broadcast_in_dim3A_133, %broadcast_in_dim3A_134 : vector<16xi1>, vector<16xi32>
      %add3A_136 = arith.addi %add3A_127, %select_n3A_135 : vector<16xi32>
      %mul3A_137 = arith.constant 25000 : i32
      %mul3A_138 = vector.broadcast %mul3A_137 : i32 to vector<16xi32>
      %mul3A_139 = arith.muli %add3A_136, %mul3A_138 : vector<16xi32>
      %sub3A_140 = arith.subi %get3A_110, %mul3A_139 : vector<16xi32>
      %mul3A_141 = arith.constant 4 : i32
      %mul3A_142 = vector.broadcast %mul3A_141 : i32 to vector<16xi32>
      %mul3A_143 = arith.muli %sub3A_140, %mul3A_142 : vector<16xi32>
      %add3A_144 = arith.addi %mul3A_143, %add3A_136 : vector<16xi32>
      %mul3A_145 = arith.constant 32 : i32
      %mul3A_146 = arith.muli %scan3A_57, %mul3A_145 : i32
      %add3A_147 = arith.constant 0 : i32
      %add3A_148 = arith.addi %add3A_147, %mul3A_146 : i32
      %add3A_149 = arith.constant 16 : i32
      %add3A_150 = arith.addi %add3A_148, %add3A_149 : i32
      %swap3A_151 = arith.index_cast %add3A_150 : i32 to index
      %swap3A_152 = tpu.vector_load %arg6[%swap3A_151] {strides = array<i32>} : memref<32768xi32, #tpu.memory_space<vmem>>, vector<16xi32>,
      tpu.vector_store %arg6[%swap3A_151], %add3A_144 {strides = array<i32>} : memref<32768xi32, #tpu.memory_space<vmem>>, vector<16xi32>,
    }
    %scan3A_11 = arith.constant 32 : i32
    %dma_start3A = arith.constant 0 : i32
    %dma_start3A_12 = arith.constant 0 : i32
    %dma_start3A_13 = tpu.memref_slice %arg7[%dma_start3A, %dma_start3A_12] : memref<800x32xf32, #tpu.memory_space<vmem>> -> memref<200x32xf32, #tpu.memory_space<vmem>>
    %dma_start3A_14 = arith.constant 0 : i32
    %dma_start3A_15 = tpu.memref_slice %arg6[%dma_start3A_14] : memref<32768xi32, #tpu.memory_space<vmem>> -> memref<200xi32, #tpu.memory_space<vmem>>
    %dma_start3A_16 = arith.constant 0 : i32
    %dma_start3A_17 = arith.constant 0 : i32
    %dma_start3A_18 = tpu.memref_slice %arg3[%dma_start3A_16, %dma_start3A_17] : memref<100000x32xf32, #tpu.memory_space<hbm>> -> memref<100000x32xf32, #tpu.memory_space<hbm>>
    tpu.enqueue_indirect_dma source(%dma_start3A_18 : memref<100000x32xf32, #tpu.memory_space<hbm>>) target(%dma_start3A_13 : memref<200x32xf32, #tpu.memory_space<vmem>>) offsets(%dma_start3A_15 : memref<200xi32, #tpu.memory_space<vmem>>) semaphore(%arg12 : memref<!tpu.dma_semaphore, #tpu.memory_space<semaphore_mem>>)
    %dma_start3A_19 = arith.constant 200 : i32
    %dma_start3A_20 = arith.constant 0 : i32
    %dma_start3A_21 = tpu.memref_slice %arg7[%dma_start3A_19, %dma_start3A_20] : memref<800x32xf32, #tpu.memory_space<vmem>> -> memref<200x32xf32, #tpu.memory_space<vmem>>
    %dma_start3A_22 = arith.constant 256 : i32
    %dma_start3A_23 = tpu.memref_slice %arg6[%dma_start3A_22] : memref<32768xi32, #tpu.memory_space<vmem>> -> memref<200xi32, #tpu.memory_space<vmem>>
    %dma_start3A_24 = arith.constant 0 : i32
    %dma_start3A_25 = arith.constant 0 : i32
    %dma_start3A_26 = tpu.memref_slice %arg3[%dma_start3A_24, %dma_start3A_25] : memref<100000x32xf32, #tpu.memory_space<hbm>> -> memref<100000x32xf32, #tpu.memory_space<hbm>>
    tpu.enqueue_indirect_dma source(%dma_start3A_26 : memref<100000x32xf32, #tpu.memory_space<hbm>>) target(%dma_start3A_21 : memref<200x32xf32, #tpu.memory_space<vmem>>) offsets(%dma_start3A_23 : memref<200xi32, #tpu.memory_space<vmem>>) semaphore(%arg13 : memref<!tpu.dma_semaphore, #tpu.memory_space<semaphore_mem>>)
    %dma_start3A_27 = arith.constant 400 : i32
    %dma_start3A_28 = arith.constant 0 : i32
    %dma_start3A_29 = tpu.memref_slice %arg7[%dma_start3A_27, %dma_start3A_28] : memref<800x32xf32, #tpu.memory_space<vmem>> -> memref<200x32xf32, #tpu.memory_space<vmem>>
    %dma_start3A_30 = arith.constant 512 : i32
    %dma_start3A_31 = tpu.memref_slice %arg6[%dma_start3A_30] : memref<32768xi32, #tpu.memory_space<vmem>> -> memref<200xi32, #tpu.memory_space<vmem>>
    %dma_start3A_32 = arith.constant 0 : i32
    %dma_start3A_33 = arith.constant 0 : i32
    %dma_start3A_34 = tpu.memref_slice %arg3[%dma_start3A_32, %dma_start3A_33] : memref<100000x32xf32, #tpu.memory_space<hbm>> -> memref<100000x32xf32, #tpu.memory_space<hbm>>
    tpu.enqueue_indirect_dma source(%dma_start3A_34 : memref<100000x32xf32, #tpu.memory_space<hbm>>) target(%dma_start3A_29 : memref<200x32xf32, #tpu.memory_space<vmem>>) offsets(%dma_start3A_31 : memref<200xi32, #tpu.memory_space<vmem>>) semaphore(%arg12 : memref<!tpu.dma_semaphore, #tpu.memory_space<semaphore_mem>>)
    %dma_start3A_35 = arith.constant 600 : i32
    %dma_start3A_36 = arith.constant 0 : i32
    %dma_start3A_37 = tpu.memref_slice %arg7[%dma_start3A_35, %dma_start3A_36] : memref<800x32xf32, #tpu.memory_space<vmem>> -> memref<200x32xf32, #tpu.memory_space<vmem>>
    %dma_start3A_38 = arith.constant 768 : i32
    %dma_start3A_39 = tpu.memref_slice %arg6[%dma_start3A_38] : memref<32768xi32, #tpu.memory_space<vmem>> -> memref<200xi32, #tpu.memory_space<vmem>>
    %dma_start3A_40 = arith.constant 0 : i32
    %dma_start3A_41 = arith.constant 0 : i32
    %dma_start3A_42 = tpu.memref_slice %arg3[%dma_start3A_40, %dma_start3A_41] : memref<100000x32xf32, #tpu.memory_space<hbm>> -> memref<100000x32xf32, #tpu.memory_space<hbm>>
    tpu.enqueue_indirect_dma source(%dma_start3A_42 : memref<100000x32xf32, #tpu.memory_space<hbm>>) target(%dma_start3A_37 : memref<200x32xf32, #tpu.memory_space<vmem>>) offsets(%dma_start3A_39 : memref<200xi32, #tpu.memory_space<vmem>>) semaphore(%arg13 : memref<!tpu.dma_semaphore, #tpu.memory_space<semaphore_mem>>)
    %scan3A_43 = arith.constant 0 : i32
    %scan3A_44 = arith.constant 0 : i32
    %scan3A_45 = arith.constant 32 : i32
    %scan3A_46 = arith.addi %scan3A_44, %scan3A_45 : i32
    %scan3A_47 = arith.constant 1 : i32
    scf.for %scan3A_57 = %scan3A_44 to %scan3A_46 step %scan3A_47  : i32 {
      %mul3A_58 = arith.constant 32 : i32
      %mul3A_59 = arith.muli %scan3A_57, %mul3A_58 : i32
      %add3A_60 = arith.constant 1024 : i32
      %add3A_61 = arith.addi %add3A_60, %mul3A_59 : i32
      %add3A_62 = arith.constant 0 : i32
      %add3A_63 = arith.addi %add3A_61, %add3A_62 : i32
      %get3A_64 = arith.index_cast %add3A_63 : i32 to index
      %get3A_65 = tpu.vector_load %arg6[%get3A_64] {strides = array<i32>} : memref<32768xi32, #tpu.memory_space<vmem>>, vector<16xi32>,
      %ge3A = arith.constant 25000 : i32
      %ge3A_66 = vector.broadcast %ge3A : i32 to vector<16xi32>
      %ge3A_67 = arith.cmpi sge, %get3A_65, %ge3A_66 : vector<16xi32>
      %jit3A = arith.constant 1 : i32
      %jit3A_68 = arith.constant 0 : i32
      %broadcast_in_dim3A_69 = vector.broadcast %jit3A : i32 to vector<16xi32>
      %broadcast_in_dim3A_70 = vector.broadcast %jit3A_68 : i32 to vector<16xi32>
      %select_n3A = arith.select %ge3A_67, %broadcast_in_dim3A_69, %broadcast_in_dim3A_70 : vector<16xi1>, vector<16xi32>
      %ge3A_71 = arith.constant 50000 : i32
      %ge3A_72 = vector.broadcast %ge3A_71 : i32 to vector<16xi32>
      %ge3A_73 = arith.cmpi sge, %get3A_65, %ge3A_72 : vector<16xi32>
      %jit3A_74 = arith.constant 1 : i32
      %jit3A_75 = arith.constant 0 : i32
      %broadcast_in_dim3A_76 = vector.broadcast %jit3A_74 : i32 to vector<16xi32>
      %broadcast_in_dim3A_77 = vector.broadcast %jit3A_75 : i32 to vector<16xi32>
      %select_n3A_78 = arith.select %ge3A_73, %broadcast_in_dim3A_76, %broadcast_in_dim3A_77 : vector<16xi1>, vector<16xi32>
      %add3A_79 = arith.addi %select_n3A, %select_n3A_78 : vector<16xi32>
      %ge3A_80 = arith.constant 75000 : i32
      %ge3A_81 = vector.broadcast %ge3A_80 : i32 to vector<16xi32>
      %ge3A_82 = arith.cmpi sge, %get3A_65, %ge3A_81 : vector<16xi32>
      %jit3A_83 = arith.constant 1 : i32
      %jit3A_84 = arith.constant 0 : i32
      %broadcast_in_dim3A_85 = vector.broadcast %jit3A_83 : i32 to vector<16xi32>
      %broadcast_in_dim3A_86 = vector.broadcast %jit3A_84 : i32 to vector<16xi32>
      %select_n3A_87 = arith.select %ge3A_82, %broadcast_in_dim3A_85, %broadcast_in_dim3A_86 : vector<16xi1>, vector<16xi32>
      %add3A_88 = arith.addi %add3A_79, %select_n3A_87 : vector<16xi32>
      %mul3A_89 = arith.constant 25000 : i32
      %mul3A_90 = vector.broadcast %mul3A_89 : i32 to vector<16xi32>
      %mul3A_91 = arith.muli %add3A_88, %mul3A_90 : vector<16xi32>
      %sub3A = arith.subi %get3A_65, %mul3A_91 : vector<16xi32>
      %mul3A_92 = arith.constant 4 : i32
      %mul3A_93 = vector.broadcast %mul3A_92 : i32 to vector<16xi32>
      %mul3A_94 = arith.muli %sub3A, %mul3A_93 : vector<16xi32>
      %add3A_95 = arith.addi %mul3A_94, %add3A_88 : vector<16xi32>
      %mul3A_96 = arith.constant 32 : i32
      %mul3A_97 = arith.muli %scan3A_57, %mul3A_96 : i32
      %add3A_98 = arith.constant 1024 : i32
      %add3A_99 = arith.addi %add3A_98, %mul3A_97 : i32
      %add3A_100 = arith.constant 0 : i32
      %add3A_101 = arith.addi %add3A_99, %add3A_100 : i32
      %swap3A = arith.index_cast %add3A_101 : i32 to index
      %swap3A_102 = tpu.vector_load %arg6[%swap3A] {strides = array<i32>} : memref<32768xi32, #tpu.memory_space<vmem>>, vector<16xi32>,
      tpu.vector_store %arg6[%swap3A], %add3A_95 {strides = array<i32>} : memref<32768xi32, #tpu.memory_space<vmem>>, vector<16xi32>,
      %mul3A_103 = arith.constant 32 : i32
      %mul3A_104 = arith.muli %scan3A_57, %mul3A_103 : i32
      %add3A_105 = arith.constant 1024 : i32
      %add3A_106 = arith.addi %add3A_105, %mul3A_104 : i32
      %add3A_107 = arith.constant 16 : i32
      %add3A_108 = arith.addi %add3A_106, %add3A_107 : i32
      %get3A_109 = arith.index_cast %add3A_108 : i32 to index
      %get3A_110 = tpu.vector_load %arg6[%get3A_109] {strides = array<i32>} : memref<32768xi32, #tpu.memory_space<vmem>>, vector<16xi32>,
      %ge3A_111 = arith.constant 25000 : i32
      %ge3A_112 = vector.broadcast %ge3A_111 : i32 to vector<16xi32>
      %ge3A_113 = arith.cmpi sge, %get3A_110, %ge3A_112 : vector<16xi32>
      %jit3A_114 = arith.constant 1 : i32
      %jit3A_115 = arith.constant 0 : i32
      %broadcast_in_dim3A_116 = vector.broadcast %jit3A_114 : i32 to vector<16xi32>
      %broadcast_in_dim3A_117 = vector.broadcast %jit3A_115 : i32 to vector<16xi32>
      %select_n3A_118 = arith.select %ge3A_113, %broadcast_in_dim3A_116, %broadcast_in_dim3A_117 : vector<16xi1>, vector<16xi32>
      %ge3A_119 = arith.constant 50000 : i32
      %ge3A_120 = vector.broadcast %ge3A_119 : i32 to vector<16xi32>
      %ge3A_121 = arith.cmpi sge, %get3A_110, %ge3A_120 : vector<16xi32>
      %jit3A_122 = arith.constant 1 : i32
      %jit3A_123 = arith.constant 0 : i32
      %broadcast_in_dim3A_124 = vector.broadcast %jit3A_122 : i32 to vector<16xi32>
      %broadcast_in_dim3A_125 = vector.broadcast %jit3A_123 : i32 to vector<16xi32>
      %select_n3A_126 = arith.select %ge3A_121, %broadcast_in_dim3A_124, %broadcast_in_dim3A_125 : vector<16xi1>, vector<16xi32>
      %add3A_127 = arith.addi %select_n3A_118, %select_n3A_126 : vector<16xi32>
      %ge3A_128 = arith.constant 75000 : i32
      %ge3A_129 = vector.broadcast %ge3A_128 : i32 to vector<16xi32>
      %ge3A_130 = arith.cmpi sge, %get3A_110, %ge3A_129 : vector<16xi32>
      %jit3A_131 = arith.constant 1 : i32
      %jit3A_132 = arith.constant 0 : i32
      %broadcast_in_dim3A_133 = vector.broadcast %jit3A_131 : i32 to vector<16xi32>
      %broadcast_in_dim3A_134 = vector.broadcast %jit3A_132 : i32 to vector<16xi32>
      %select_n3A_135 = arith.select %ge3A_130, %broadcast_in_dim3A_133, %broadcast_in_dim3A_134 : vector<16xi1>, vector<16xi32>
      %add3A_136 = arith.addi %add3A_127, %select_n3A_135 : vector<16xi32>
      %mul3A_137 = arith.constant 25000 : i32
      %mul3A_138 = vector.broadcast %mul3A_137 : i32 to vector<16xi32>
      %mul3A_139 = arith.muli %add3A_136, %mul3A_138 : vector<16xi32>
      %sub3A_140 = arith.subi %get3A_110, %mul3A_139 : vector<16xi32>
      %mul3A_141 = arith.constant 4 : i32
      %mul3A_142 = vector.broadcast %mul3A_141 : i32 to vector<16xi32>
      %mul3A_143 = arith.muli %sub3A_140, %mul3A_142 : vector<16xi32>
      %add3A_144 = arith.addi %mul3A_143, %add3A_136 : vector<16xi32>
      %mul3A_145 = arith.constant 32 : i32
      %mul3A_146 = arith.muli %scan3A_57, %mul3A_145 : i32
      %add3A_147 = arith.constant 1024 : i32
      %add3A_148 = arith.addi %add3A_147, %mul3A_146 : i32
      %add3A_149 = arith.constant 16 : i32
      %add3A_150 = arith.addi %add3A_148, %add3A_149 : i32
      %swap3A_151 = arith.index_cast %add3A_150 : i32 to index
      %swap3A_152 = tpu.vector_load %arg6[%swap3A_151] {strides = array<i32>} : memref<32768xi32, #tpu.memory_space<vmem>>, vector<16xi32>,
      tpu.vector_store %arg6[%swap3A_151], %add3A_144 {strides = array<i32>} : memref<32768xi32, #tpu.memory_space<vmem>>, vector<16xi32>,
    }
    %scan3A_48 = arith.constant 32 : i32
    %scan3A_49 = arith.constant 0 : i32
    %scan3A_50 = arith.constant 0 : i32
    %scan3A_51 = arith.constant 16 : i32
    %scan3A_52 = arith.addi %scan3A_50, %scan3A_51 : i32
    %scan3A_53 = arith.constant 1 : i32
    scf.for %scan3A_57 = %scan3A_50 to %scan3A_52 step %scan3A_53  : i32 {
      %mul3A_58 = arith.constant 2 : i32
      %mul3A_59 = arith.muli %mul3A_58, %scan3A_57 : i32
      %add3A_60 = arith.constant 1 : i32
      %add3A_61 = arith.addi %mul3A_59, %add3A_60 : i32
      %mul3A_62 = arith.constant 1024 : i32
      %mul3A_63 = arith.muli %add3A_61, %mul3A_62 : i32
      %add3A_64 = arith.constant 0 : i32
      %add3A_65 = arith.addi %mul3A_63, %add3A_64 : i32
      %mul3A_66 = arith.constant 1024 : i32
      %mul3A_67 = arith.muli %add3A_61, %mul3A_66 : i32
      %add3A_68 = arith.constant 256 : i32
      %add3A_69 = arith.addi %mul3A_67, %add3A_68 : i32
      %mul3A_70 = arith.constant 1024 : i32
      %mul3A_71 = arith.muli %add3A_61, %mul3A_70 : i32
      %add3A_72 = arith.constant 512 : i32
      %add3A_73 = arith.addi %mul3A_71, %add3A_72 : i32
      %mul3A_74 = arith.constant 1024 : i32
      %mul3A_75 = arith.muli %add3A_61, %mul3A_74 : i32
      %add3A_76 = arith.constant 768 : i32
      %add3A_77 = arith.addi %mul3A_75, %add3A_76 : i32
      %dma_start3A_78 = arith.constant 0 : i32
      %dma_start3A_79 = arith.constant 0 : i32
      %dma_start3A_80 = tpu.memref_slice %arg8[%dma_start3A_78, %dma_start3A_79] : memref<800x32xf32, #tpu.memory_space<vmem>> -> memref<200x32xf32, #tpu.memory_space<vmem>>
      %dma_start3A_81 = tpu.memref_slice %arg6[%add3A_65] : memref<32768xi32, #tpu.memory_space<vmem>> -> memref<200xi32, #tpu.memory_space<vmem>>
      %dma_start3A_82 = arith.constant 0 : i32
      %dma_start3A_83 = arith.constant 0 : i32
      %dma_start3A_84 = tpu.memref_slice %arg3[%dma_start3A_82, %dma_start3A_83] : memref<100000x32xf32, #tpu.memory_space<hbm>> -> memref<100000x32xf32, #tpu.memory_space<hbm>>
      tpu.enqueue_indirect_dma source(%dma_start3A_84 : memref<100000x32xf32, #tpu.memory_space<hbm>>) target(%dma_start3A_80 : memref<200x32xf32, #tpu.memory_space<vmem>>) offsets(%dma_start3A_81 : memref<200xi32, #tpu.memory_space<vmem>>) semaphore(%arg14 : memref<!tpu.dma_semaphore, #tpu.memory_space<semaphore_mem>>)
      %dma_start3A_85 = arith.constant 200 : i32
      %dma_start3A_86 = arith.constant 0 : i32
      %dma_start3A_87 = tpu.memref_slice %arg8[%dma_start3A_85, %dma_start3A_86] : memref<800x32xf32, #tpu.memory_space<vmem>> -> memref<200x32xf32, #tpu.memory_space<vmem>>
      %dma_start3A_88 = tpu.memref_slice %arg6[%add3A_69] : memref<32768xi32, #tpu.memory_space<vmem>> -> memref<200xi32, #tpu.memory_space<vmem>>
      %dma_start3A_89 = arith.constant 0 : i32
      %dma_start3A_90 = arith.constant 0 : i32
      %dma_start3A_91 = tpu.memref_slice %arg3[%dma_start3A_89, %dma_start3A_90] : memref<100000x32xf32, #tpu.memory_space<hbm>> -> memref<100000x32xf32, #tpu.memory_space<hbm>>
      tpu.enqueue_indirect_dma source(%dma_start3A_91 : memref<100000x32xf32, #tpu.memory_space<hbm>>) target(%dma_start3A_87 : memref<200x32xf32, #tpu.memory_space<vmem>>) offsets(%dma_start3A_88 : memref<200xi32, #tpu.memory_space<vmem>>) semaphore(%arg15 : memref<!tpu.dma_semaphore, #tpu.memory_space<semaphore_mem>>)
      %dma_start3A_92 = arith.constant 400 : i32
      %dma_start3A_93 = arith.constant 0 : i32
      %dma_start3A_94 = tpu.memref_slice %arg8[%dma_start3A_92, %dma_start3A_93] : memref<800x32xf32, #tpu.memory_space<vmem>> -> memref<200x32xf32, #tpu.memory_space<vmem>>
      %dma_start3A_95 = tpu.memref_slice %arg6[%add3A_73] : memref<32768xi32, #tpu.memory_space<vmem>> -> memref<200xi32, #tpu.memory_space<vmem>>
      %dma_start3A_96 = arith.constant 0 : i32
      %dma_start3A_97 = arith.constant 0 : i32
      %dma_start3A_98 = tpu.memref_slice %arg3[%dma_start3A_96, %dma_start3A_97] : memref<100000x32xf32, #tpu.memory_space<hbm>> -> memref<100000x32xf32, #tpu.memory_space<hbm>>
      tpu.enqueue_indirect_dma source(%dma_start3A_98 : memref<100000x32xf32, #tpu.memory_space<hbm>>) target(%dma_start3A_94 : memref<200x32xf32, #tpu.memory_space<vmem>>) offsets(%dma_start3A_95 : memref<200xi32, #tpu.memory_space<vmem>>) semaphore(%arg14 : memref<!tpu.dma_semaphore, #tpu.memory_space<semaphore_mem>>)
      %dma_start3A_99 = arith.constant 600 : i32
      %dma_start3A_100 = arith.constant 0 : i32
      %dma_start3A_101 = tpu.memref_slice %arg8[%dma_start3A_99, %dma_start3A_100] : memref<800x32xf32, #tpu.memory_space<vmem>> -> memref<200x32xf32, #tpu.memory_space<vmem>>
      %dma_start3A_102 = tpu.memref_slice %arg6[%add3A_77] : memref<32768xi32, #tpu.memory_space<vmem>> -> memref<200xi32, #tpu.memory_space<vmem>>
      %dma_start3A_103 = arith.constant 0 : i32
      %dma_start3A_104 = arith.constant 0 : i32
      %dma_start3A_105 = tpu.memref_slice %arg3[%dma_start3A_103, %dma_start3A_104] : memref<100000x32xf32, #tpu.memory_space<hbm>> -> memref<100000x32xf32, #tpu.memory_space<hbm>>
      tpu.enqueue_indirect_dma source(%dma_start3A_105 : memref<100000x32xf32, #tpu.memory_space<hbm>>) target(%dma_start3A_101 : memref<200x32xf32, #tpu.memory_space<vmem>>) offsets(%dma_start3A_102 : memref<200xi32, #tpu.memory_space<vmem>>) semaphore(%arg15 : memref<!tpu.dma_semaphore, #tpu.memory_space<semaphore_mem>>)
      %lt3A = arith.constant 15 : i32
      %lt3A_106 = arith.cmpi slt, %scan3A_57, %lt3A : i32
      %convert_element_type3A = arith.extui %lt3A_106 : i1 to i32
      %cond3A = arith.constant 0 : i32
      %cond3A_107 = arith.cmpi ne, %convert_element_type3A, %cond3A : i32
      scf.if %cond3A_107 {
        %mul3A_431 = arith.constant 2 : i32
        %mul3A_432 = arith.muli %mul3A_431, %scan3A_57 : i32
        %add3A_433 = arith.constant 2 : i32
        %add3A_434 = arith.addi %mul3A_432, %add3A_433 : i32
        %mul3A_435 = arith.constant 1024 : i32
        %mul3A_436 = arith.muli %add3A_434, %mul3A_435 : i32
        %scan3A_437 = arith.constant 0 : i32
        %scan3A_438 = arith.constant 0 : i32
        %scan3A_439 = arith.constant 32 : i32
        %scan3A_440 = arith.addi %scan3A_438, %scan3A_439 : i32
        %scan3A_441 = arith.constant 1 : i32
        scf.for %scan3A_443 = %scan3A_438 to %scan3A_440 step %scan3A_441  : i32 {
          %mul3A_444 = arith.constant 32 : i32
          %mul3A_445 = arith.muli %scan3A_443, %mul3A_444 : i32
          %add3A_446 = arith.addi %mul3A_436, %mul3A_445 : i32
          %add3A_447 = arith.constant 0 : i32
          %add3A_448 = arith.addi %add3A_446, %add3A_447 : i32
          %get3A_449 = arith.index_cast %add3A_448 : i32 to index
          %get3A_450 = tpu.vector_load %arg6[%get3A_449] {strides = array<i32>} : memref<32768xi32, #tpu.memory_space<vmem>>, vector<16xi32>,
          %ge3A = arith.constant 25000 : i32
          %ge3A_451 = vector.broadcast %ge3A : i32 to vector<16xi32>
          %ge3A_452 = arith.cmpi sge, %get3A_450, %ge3A_451 : vector<16xi32>
          %jit3A = arith.constant 1 : i32
          %jit3A_453 = arith.constant 0 : i32
          %broadcast_in_dim3A_454 = vector.broadcast %jit3A : i32 to vector<16xi32>
          %broadcast_in_dim3A_455 = vector.broadcast %jit3A_453 : i32 to vector<16xi32>
          %select_n3A = arith.select %ge3A_452, %broadcast_in_dim3A_454, %broadcast_in_dim3A_455 : vector<16xi1>, vector<16xi32>
          %ge3A_456 = arith.constant 50000 : i32
          %ge3A_457 = vector.broadcast %ge3A_456 : i32 to vector<16xi32>
          %ge3A_458 = arith.cmpi sge, %get3A_450, %ge3A_457 : vector<16xi32>
          %jit3A_459 = arith.constant 1 : i32
          %jit3A_460 = arith.constant 0 : i32
          %broadcast_in_dim3A_461 = vector.broadcast %jit3A_459 : i32 to vector<16xi32>
          %broadcast_in_dim3A_462 = vector.broadcast %jit3A_460 : i32 to vector<16xi32>
          %select_n3A_463 = arith.select %ge3A_458, %broadcast_in_dim3A_461, %broadcast_in_dim3A_462 : vector<16xi1>, vector<16xi32>
          %add3A_464 = arith.addi %select_n3A, %select_n3A_463 : vector<16xi32>
          %ge3A_465 = arith.constant 75000 : i32
          %ge3A_466 = vector.broadcast %ge3A_465 : i32 to vector<16xi32>
          %ge3A_467 = arith.cmpi sge, %get3A_450, %ge3A_466 : vector<16xi32>
          %jit3A_468 = arith.constant 1 : i32
          %jit3A_469 = arith.constant 0 : i32
          %broadcast_in_dim3A_470 = vector.broadcast %jit3A_468 : i32 to vector<16xi32>
          %broadcast_in_dim3A_471 = vector.broadcast %jit3A_469 : i32 to vector<16xi32>
          %select_n3A_472 = arith.select %ge3A_467, %broadcast_in_dim3A_470, %broadcast_in_dim3A_471 : vector<16xi1>, vector<16xi32>
          %add3A_473 = arith.addi %add3A_464, %select_n3A_472 : vector<16xi32>
          %mul3A_474 = arith.constant 25000 : i32
          %mul3A_475 = vector.broadcast %mul3A_474 : i32 to vector<16xi32>
          %mul3A_476 = arith.muli %add3A_473, %mul3A_475 : vector<16xi32>
          %sub3A = arith.subi %get3A_450, %mul3A_476 : vector<16xi32>
          %mul3A_477 = arith.constant 4 : i32
          %mul3A_478 = vector.broadcast %mul3A_477 : i32 to vector<16xi32>
          %mul3A_479 = arith.muli %sub3A, %mul3A_478 : vector<16xi32>
          %add3A_480 = arith.addi %mul3A_479, %add3A_473 : vector<16xi32>
          %mul3A_481 = arith.constant 32 : i32
          %mul3A_482 = arith.muli %scan3A_443, %mul3A_481 : i32
          %add3A_483 = arith.addi %mul3A_436, %mul3A_482 : i32
          %add3A_484 = arith.constant 0 : i32
          %add3A_485 = arith.addi %add3A_483, %add3A_484 : i32
          %swap3A_486 = arith.index_cast %add3A_485 : i32 to index
          %swap3A_487 = tpu.vector_load %arg6[%swap3A_486] {strides = array<i32>} : memref<32768xi32, #tpu.memory_space<vmem>>, vector<16xi32>,
          tpu.vector_store %arg6[%swap3A_486], %add3A_480 {strides = array<i32>} : memref<32768xi32, #tpu.memory_space<vmem>>, vector<16xi32>,
          %mul3A_488 = arith.constant 32 : i32
          %mul3A_489 = arith.muli %scan3A_443, %mul3A_488 : i32
          %add3A_490 = arith.addi %mul3A_436, %mul3A_489 : i32
          %add3A_491 = arith.constant 16 : i32
          %add3A_492 = arith.addi %add3A_490, %add3A_491 : i32
          %get3A_493 = arith.index_cast %add3A_492 : i32 to index
          %get3A_494 = tpu.vector_load %arg6[%get3A_493] {strides = array<i32>} : memref<32768xi32, #tpu.memory_space<vmem>>, vector<16xi32>,
          %ge3A_495 = arith.constant 25000 : i32
          %ge3A_496 = vector.broadcast %ge3A_495 : i32 to vector<16xi32>
          %ge3A_497 = arith.cmpi sge, %get3A_494, %ge3A_496 : vector<16xi32>
          %jit3A_498 = arith.constant 1 : i32
          %jit3A_499 = arith.constant 0 : i32
          %broadcast_in_dim3A_500 = vector.broadcast %jit3A_498 : i32 to vector<16xi32>
          %broadcast_in_dim3A_501 = vector.broadcast %jit3A_499 : i32 to vector<16xi32>
          %select_n3A_502 = arith.select %ge3A_497, %broadcast_in_dim3A_500, %broadcast_in_dim3A_501 : vector<16xi1>, vector<16xi32>
          %ge3A_503 = arith.constant 50000 : i32
          %ge3A_504 = vector.broadcast %ge3A_503 : i32 to vector<16xi32>
          %ge3A_505 = arith.cmpi sge, %get3A_494, %ge3A_504 : vector<16xi32>
          %jit3A_506 = arith.constant 1 : i32
          %jit3A_507 = arith.constant 0 : i32
          %broadcast_in_dim3A_508 = vector.broadcast %jit3A_506 : i32 to vector<16xi32>
          %broadcast_in_dim3A_509 = vector.broadcast %jit3A_507 : i32 to vector<16xi32>
          %select_n3A_510 = arith.select %ge3A_505, %broadcast_in_dim3A_508, %broadcast_in_dim3A_509 : vector<16xi1>, vector<16xi32>
          %add3A_511 = arith.addi %select_n3A_502, %select_n3A_510 : vector<16xi32>
          %ge3A_512 = arith.constant 75000 : i32
          %ge3A_513 = vector.broadcast %ge3A_512 : i32 to vector<16xi32>
          %ge3A_514 = arith.cmpi sge, %get3A_494, %ge3A_513 : vector<16xi32>
          %jit3A_515 = arith.constant 1 : i32
          %jit3A_516 = arith.constant 0 : i32
          %broadcast_in_dim3A_517 = vector.broadcast %jit3A_515 : i32 to vector<16xi32>
          %broadcast_in_dim3A_518 = vector.broadcast %jit3A_516 : i32 to vector<16xi32>
          %select_n3A_519 = arith.select %ge3A_514, %broadcast_in_dim3A_517, %broadcast_in_dim3A_518 : vector<16xi1>, vector<16xi32>
          %add3A_520 = arith.addi %add3A_511, %select_n3A_519 : vector<16xi32>
          %mul3A_521 = arith.constant 25000 : i32
          %mul3A_522 = vector.broadcast %mul3A_521 : i32 to vector<16xi32>
          %mul3A_523 = arith.muli %add3A_520, %mul3A_522 : vector<16xi32>
          %sub3A_524 = arith.subi %get3A_494, %mul3A_523 : vector<16xi32>
          %mul3A_525 = arith.constant 4 : i32
          %mul3A_526 = vector.broadcast %mul3A_525 : i32 to vector<16xi32>
          %mul3A_527 = arith.muli %sub3A_524, %mul3A_526 : vector<16xi32>
          %add3A_528 = arith.addi %mul3A_527, %add3A_520 : vector<16xi32>
          %mul3A_529 = arith.constant 32 : i32
          %mul3A_530 = arith.muli %scan3A_443, %mul3A_529 : i32
          %add3A_531 = arith.addi %mul3A_436, %mul3A_530 : i32
          %add3A_532 = arith.constant 16 : i32
          %add3A_533 = arith.addi %add3A_531, %add3A_532 : i32
          %swap3A_534 = arith.index_cast %add3A_533 : i32 to index
          %swap3A_535 = tpu.vector_load %arg6[%swap3A_534] {strides = array<i32>} : memref<32768xi32, #tpu.memory_space<vmem>>, vector<16xi32>,
          tpu.vector_store %arg6[%swap3A_534], %add3A_528 {strides = array<i32>} : memref<32768xi32, #tpu.memory_space<vmem>>, vector<16xi32>,
        }
        %scan3A_442 = arith.constant 32 : i32
      } else {
      }
      %mul3A_108 = arith.constant 2 : i32
      %mul3A_109 = arith.muli %mul3A_108, %scan3A_57 : i32
      %mul3A_110 = arith.constant 1024 : i32
      %mul3A_111 = arith.muli %mul3A_109, %mul3A_110 : i32
      %add3A_112 = arith.constant 0 : i32
      %add3A_113 = arith.addi %mul3A_111, %add3A_112 : i32
      %mul3A_114 = arith.constant 1024 : i32
      %mul3A_115 = arith.muli %mul3A_109, %mul3A_114 : i32
      %add3A_116 = arith.constant 256 : i32
      %add3A_117 = arith.addi %mul3A_115, %add3A_116 : i32
      %mul3A_118 = arith.constant 1024 : i32
      %mul3A_119 = arith.muli %mul3A_109, %mul3A_118 : i32
      %add3A_120 = arith.constant 512 : i32
      %add3A_121 = arith.addi %mul3A_119, %add3A_120 : i32
      %mul3A_122 = arith.constant 1024 : i32
      %mul3A_123 = arith.muli %mul3A_109, %mul3A_122 : i32
      %add3A_124 = arith.constant 768 : i32
      %add3A_125 = arith.addi %mul3A_123, %add3A_124 : i32
      %dma_wait3A = arith.constant 0 : i32
      %dma_wait3A_126 = arith.constant 0 : i32
      %dma_wait3A_127 = tpu.memref_slice %arg7[%dma_wait3A, %dma_wait3A_126] : memref<800x32xf32, #tpu.memory_space<vmem>> -> memref<200x32xf32, #tpu.memory_space<vmem>>
      %dma_wait3A_128 = tpu.memref_slice %arg6[%add3A_113] : memref<32768xi32, #tpu.memory_space<vmem>> -> memref<200xi32, #tpu.memory_space<vmem>>
      %dma_wait3A_129 = arith.constant 0 : i32
      %dma_wait3A_130 = arith.constant 0 : i32
      %dma_wait3A_131 = tpu.memref_slice %arg3[%dma_wait3A_129, %dma_wait3A_130] : memref<100000x32xf32, #tpu.memory_space<hbm>> -> memref<100000x32xf32, #tpu.memory_space<hbm>>
      tpu.wait_indirect_dma semaphore(%arg12 : memref<!tpu.dma_semaphore, #tpu.memory_space<semaphore_mem>>) src(%dma_wait3A_131 : memref<100000x32xf32, #tpu.memory_space<hbm>>) dst(%dma_wait3A_127 : memref<200x32xf32, #tpu.memory_space<vmem>>)
      %dma_wait3A_132 = arith.constant 200 : i32
      %dma_wait3A_133 = arith.constant 0 : i32
      %dma_wait3A_134 = tpu.memref_slice %arg7[%dma_wait3A_132, %dma_wait3A_133] : memref<800x32xf32, #tpu.memory_space<vmem>> -> memref<200x32xf32, #tpu.memory_space<vmem>>
      %dma_wait3A_135 = tpu.memref_slice %arg6[%add3A_117] : memref<32768xi32, #tpu.memory_space<vmem>> -> memref<200xi32, #tpu.memory_space<vmem>>
      %dma_wait3A_136 = arith.constant 0 : i32
      %dma_wait3A_137 = arith.constant 0 : i32
      %dma_wait3A_138 = tpu.memref_slice %arg3[%dma_wait3A_136, %dma_wait3A_137] : memref<100000x32xf32, #tpu.memory_space<hbm>> -> memref<100000x32xf32, #tpu.memory_space<hbm>>
      tpu.wait_indirect_dma semaphore(%arg13 : memref<!tpu.dma_semaphore, #tpu.memory_space<semaphore_mem>>) src(%dma_wait3A_138 : memref<100000x32xf32, #tpu.memory_space<hbm>>) dst(%dma_wait3A_134 : memref<200x32xf32, #tpu.memory_space<vmem>>)
      %dma_wait3A_139 = arith.constant 400 : i32
      %dma_wait3A_140 = arith.constant 0 : i32
      %dma_wait3A_141 = tpu.memref_slice %arg7[%dma_wait3A_139, %dma_wait3A_140] : memref<800x32xf32, #tpu.memory_space<vmem>> -> memref<200x32xf32, #tpu.memory_space<vmem>>
      %dma_wait3A_142 = tpu.memref_slice %arg6[%add3A_121] : memref<32768xi32, #tpu.memory_space<vmem>> -> memref<200xi32, #tpu.memory_space<vmem>>
      %dma_wait3A_143 = arith.constant 0 : i32
      %dma_wait3A_144 = arith.constant 0 : i32
      %dma_wait3A_145 = tpu.memref_slice %arg3[%dma_wait3A_143, %dma_wait3A_144] : memref<100000x32xf32, #tpu.memory_space<hbm>> -> memref<100000x32xf32, #tpu.memory_space<hbm>>
      tpu.wait_indirect_dma semaphore(%arg12 : memref<!tpu.dma_semaphore, #tpu.memory_space<semaphore_mem>>) src(%dma_wait3A_145 : memref<100000x32xf32, #tpu.memory_space<hbm>>) dst(%dma_wait3A_141 : memref<200x32xf32, #tpu.memory_space<vmem>>)
      %dma_wait3A_146 = arith.constant 600 : i32
      %dma_wait3A_147 = arith.constant 0 : i32
      %dma_wait3A_148 = tpu.memref_slice %arg7[%dma_wait3A_146, %dma_wait3A_147] : memref<800x32xf32, #tpu.memory_space<vmem>> -> memref<200x32xf32, #tpu.memory_space<vmem>>
      %dma_wait3A_149 = tpu.memref_slice %arg6[%add3A_125] : memref<32768xi32, #tpu.memory_space<vmem>> -> memref<200xi32, #tpu.memory_space<vmem>>
      %dma_wait3A_150 = arith.constant 0 : i32
      %dma_wait3A_151 = arith.constant 0 : i32
      %dma_wait3A_152 = tpu.memref_slice %arg3[%dma_wait3A_150, %dma_wait3A_151] : memref<100000x32xf32, #tpu.memory_space<hbm>> -> memref<100000x32xf32, #tpu.memory_space<hbm>>
      tpu.wait_indirect_dma semaphore(%arg13 : memref<!tpu.dma_semaphore, #tpu.memory_space<semaphore_mem>>) src(%dma_wait3A_152 : memref<100000x32xf32, #tpu.memory_space<hbm>>) dst(%dma_wait3A_148 : memref<200x32xf32, #tpu.memory_space<vmem>>)
      %broadcast_in_dim3A_153 = arith.constant 0.000000e+00 : f32
      %broadcast_in_dim3A_154 = vector.broadcast %broadcast_in_dim3A_153 : f32 to vector<16xf32>
      %broadcast_in_dim3A_155 = arith.constant 0.000000e+00 : f32
      %broadcast_in_dim3A_156 = vector.broadcast %broadcast_in_dim3A_155 : f32 to vector<16xf32>
      %broadcast_in_dim3A_157 = arith.constant 0.000000e+00 : f32
      %broadcast_in_dim3A_158 = vector.broadcast %broadcast_in_dim3A_157 : f32 to vector<16xf32>
      %broadcast_in_dim3A_159 = arith.constant 0.000000e+00 : f32
      %broadcast_in_dim3A_160 = vector.broadcast %broadcast_in_dim3A_159 : f32 to vector<16xf32>
      %broadcast_in_dim3A_161 = arith.constant 0.000000e+00 : f32
      %broadcast_in_dim3A_162 = vector.broadcast %broadcast_in_dim3A_161 : f32 to vector<16xf32>
      %broadcast_in_dim3A_163 = arith.constant 0.000000e+00 : f32
      %broadcast_in_dim3A_164 = vector.broadcast %broadcast_in_dim3A_163 : f32 to vector<16xf32>
      %broadcast_in_dim3A_165 = arith.constant 0.000000e+00 : f32
      %broadcast_in_dim3A_166 = vector.broadcast %broadcast_in_dim3A_165 : f32 to vector<16xf32>
      %broadcast_in_dim3A_167 = arith.constant 0.000000e+00 : f32
      %broadcast_in_dim3A_168 = vector.broadcast %broadcast_in_dim3A_167 : f32 to vector<16xf32>
      %scan3A_169 = arith.constant 0 : i32
      %scan3A_170 = arith.constant 200 : i32
      %scan3A_171 = arith.addi %scan3A_169, %scan3A_170 : i32
      %scan3A_172 = arith.constant 1 : i32
      %scan3A_173:8 = scf.for %scan3A_431 = %scan3A_169 to %scan3A_171 step %scan3A_172 iter_args(%scan3A_432 = %broadcast_in_dim3A_154, %scan3A_433 = %broadcast_in_dim3A_156, %scan3A_434 = %broadcast_in_dim3A_158, %scan3A_435 = %broadcast_in_dim3A_160, %scan3A_436 = %broadcast_in_dim3A_162, %scan3A_437 = %broadcast_in_dim3A_164, %scan3A_438 = %broadcast_in_dim3A_166, %scan3A_439 = %broadcast_in_dim3A_168) -> (vector<16xf32>, vector<16xf32>, vector<16xf32>, vector<16xf32>, vector<16xf32>, vector<16xf32>, vector<16xf32>, vector<16xf32>)  : i32 {
        %add3A_440 = arith.constant 0 : i32
        %add3A_441 = arith.addi %add3A_440, %scan3A_431 : i32
        %get3A_442 = arith.index_cast %add3A_441 : i32 to index
        %get3A_443 = arith.constant 0 : index
        %get3A_444 = tpu.vector_load %arg7[%get3A_442, %get3A_443] {strides = array<i32>} : memref<800x32xf32, #tpu.memory_space<vmem>>, vector<16xf32>,
        %add3A_445 = arith.addf %scan3A_432, %get3A_444 : vector<16xf32>
        %add3A_446 = arith.constant 0 : i32
        %add3A_447 = arith.addi %add3A_446, %scan3A_431 : i32
        %get3A_448 = arith.index_cast %add3A_447 : i32 to index
        %get3A_449 = arith.constant 16 : index
        %get3A_450 = tpu.vector_load %arg7[%get3A_448, %get3A_449] {strides = array<i32>} : memref<800x32xf32, #tpu.memory_space<vmem>>, vector<16xf32>,
        %add3A_451 = arith.addf %scan3A_433, %get3A_450 : vector<16xf32>
        %add3A_452 = arith.constant 200 : i32
        %add3A_453 = arith.addi %add3A_452, %scan3A_431 : i32
        %get3A_454 = arith.index_cast %add3A_453 : i32 to index
        %get3A_455 = arith.constant 0 : index
        %get3A_456 = tpu.vector_load %arg7[%get3A_454, %get3A_455] {strides = array<i32>} : memref<800x32xf32, #tpu.memory_space<vmem>>, vector<16xf32>,
        %add3A_457 = arith.addf %scan3A_434, %get3A_456 : vector<16xf32>
        %add3A_458 = arith.constant 200 : i32
        %add3A_459 = arith.addi %add3A_458, %scan3A_431 : i32
        %get3A_460 = arith.index_cast %add3A_459 : i32 to index
        %get3A_461 = arith.constant 16 : index
        %get3A_462 = tpu.vector_load %arg7[%get3A_460, %get3A_461] {strides = array<i32>} : memref<800x32xf32, #tpu.memory_space<vmem>>, vector<16xf32>,
        %add3A_463 = arith.addf %scan3A_435, %get3A_462 : vector<16xf32>
        %add3A_464 = arith.constant 400 : i32
        %add3A_465 = arith.addi %add3A_464, %scan3A_431 : i32
        %get3A_466 = arith.index_cast %add3A_465 : i32 to index
        %get3A_467 = arith.constant 0 : index
        %get3A_468 = tpu.vector_load %arg7[%get3A_466, %get3A_467] {strides = array<i32>} : memref<800x32xf32, #tpu.memory_space<vmem>>, vector<16xf32>,
        %add3A_469 = arith.addf %scan3A_436, %get3A_468 : vector<16xf32>
        %add3A_470 = arith.constant 400 : i32
        %add3A_471 = arith.addi %add3A_470, %scan3A_431 : i32
        %get3A_472 = arith.index_cast %add3A_471 : i32 to index
        %get3A_473 = arith.constant 16 : index
        %get3A_474 = tpu.vector_load %arg7[%get3A_472, %get3A_473] {strides = array<i32>} : memref<800x32xf32, #tpu.memory_space<vmem>>, vector<16xf32>,
        %add3A_475 = arith.addf %scan3A_437, %get3A_474 : vector<16xf32>
        %add3A_476 = arith.constant 600 : i32
        %add3A_477 = arith.addi %add3A_476, %scan3A_431 : i32
        %get3A_478 = arith.index_cast %add3A_477 : i32 to index
        %get3A_479 = arith.constant 0 : index
        %get3A_480 = tpu.vector_load %arg7[%get3A_478, %get3A_479] {strides = array<i32>} : memref<800x32xf32, #tpu.memory_space<vmem>>, vector<16xf32>,
        %add3A_481 = arith.addf %scan3A_438, %get3A_480 : vector<16xf32>
        %add3A_482 = arith.constant 600 : i32
        %add3A_483 = arith.addi %add3A_482, %scan3A_431 : i32
        %get3A_484 = arith.index_cast %add3A_483 : i32 to index
        %get3A_485 = arith.constant 16 : index
        %get3A_486 = tpu.vector_load %arg7[%get3A_484, %get3A_485] {strides = array<i32>} : memref<800x32xf32, #tpu.memory_space<vmem>>, vector<16xf32>,
        %add3A_487 = arith.addf %scan3A_439, %get3A_486 : vector<16xf32>
        scf.yield %add3A_445, %add3A_451, %add3A_457, %add3A_463, %add3A_469, %add3A_475, %add3A_481, %add3A_487 : vector<16xf32>, vector<16xf32>, vector<16xf32>, vector<16xf32>, vector<16xf32>, vector<16xf32>, vector<16xf32>, vector<16xf32>
      }
      %scan3A_174 = arith.constant 200 : i32
      %mul3A_175 = arith.constant 4 : i32
      %mul3A_176 = arith.muli %mul3A_109, %mul3A_175 : i32
      %add3A_177 = arith.constant 0 : i32
      %add3A_178 = arith.addi %mul3A_176, %add3A_177 : i32
      %swap3A = arith.constant 0 : index
      %swap3A_179 = tpu.vector_load %arg11[%swap3A] {strides = array<i32>} : memref<16xf32, #tpu.memory_space<vmem>>, vector<16xf32>,
      tpu.vector_store %arg11[%swap3A], %scan3A_173#1 {strides = array<i32>} : memref<16xf32, #tpu.memory_space<vmem>>, vector<16xf32>,
      %add3A_180 = arith.constant 4 : i32
      %add3A_181 = vector.broadcast %add3A_180 : i32 to vector<16xi32>
      %add3A_182 = arith.addi %broadcast_in_dim3A_6, %add3A_181 : vector<16xi32>
      %gather3A = tpu.vector_load_idx %arg11[%add3A_182] : memref<16xf32, #tpu.memory_space<vmem>>[vector<16xi32>], vector<16xf32>,
      %div3A = arith.constant 1.000000e+00 : f32
      %div3A_183 = vector.broadcast %div3A : f32 to vector<16xf32>
      %div3A_184 = arith.divf %div3A_183, %gather3A : vector<16xf32>
      %mul3A_185 = arith.mulf %scan3A_173#0, %div3A_184 : vector<16xf32>
      %add3A_186 = arith.addf %mul3A_185, %get3A_3 : vector<16xf32>
      %swap3A_187 = arith.index_cast %add3A_178 : i32 to index
      %swap3A_188 = arith.constant 0 : index
      %swap3A_189 = tpu.vector_load %arg9[%swap3A_187, %swap3A_188] {strides = array<i32>} : memref<128x32xf32, #tpu.memory_space<vmem>>, vector<16xf32>,
      tpu.vector_store %arg9[%swap3A_187, %swap3A_188], %add3A_186 {strides = array<i32>} : memref<128x32xf32, #tpu.memory_space<vmem>>, vector<16xf32>,
      %mul3A_190 = arith.mulf %scan3A_173#1, %div3A_184 : vector<16xf32>
      %add3A_191 = arith.addf %mul3A_190, %get3A_5 : vector<16xf32>
      %swap3A_192 = arith.index_cast %add3A_178 : i32 to index
      %swap3A_193 = arith.constant 16 : index
      %swap3A_194 = tpu.vector_load %arg9[%swap3A_192, %swap3A_193] {strides = array<i32>} : memref<128x32xf32, #tpu.memory_space<vmem>>, vector<16xf32>,
      tpu.vector_store %arg9[%swap3A_192, %swap3A_193], %add3A_191 {strides = array<i32>} : memref<128x32xf32, #tpu.memory_space<vmem>>, vector<16xf32>,
      %mul3A_195 = arith.constant 4 : i32
      %mul3A_196 = arith.muli %mul3A_109, %mul3A_195 : i32
      %add3A_197 = arith.constant 1 : i32
      %add3A_198 = arith.addi %mul3A_196, %add3A_197 : i32
      %swap3A_199 = arith.constant 0 : index
      %swap3A_200 = tpu.vector_load %arg11[%swap3A_199] {strides = array<i32>} : memref<16xf32, #tpu.memory_space<vmem>>, vector<16xf32>,
      tpu.vector_store %arg11[%swap3A_199], %scan3A_173#3 {strides = array<i32>} : memref<16xf32, #tpu.memory_space<vmem>>, vector<16xf32>,
      %add3A_201 = arith.constant 4 : i32
      %add3A_202 = vector.broadcast %add3A_201 : i32 to vector<16xi32>
      %add3A_203 = arith.addi %broadcast_in_dim3A_6, %add3A_202 : vector<16xi32>
      %gather3A_204 = tpu.vector_load_idx %arg11[%add3A_203] : memref<16xf32, #tpu.memory_space<vmem>>[vector<16xi32>], vector<16xf32>,
      %div3A_205 = arith.constant 1.000000e+00 : f32
      %div3A_206 = vector.broadcast %div3A_205 : f32 to vector<16xf32>
      %div3A_207 = arith.divf %div3A_206, %gather3A_204 : vector<16xf32>
      %mul3A_208 = arith.mulf %scan3A_173#2, %div3A_207 : vector<16xf32>
      %add3A_209 = arith.addf %mul3A_208, %get3A_3 : vector<16xf32>
      %swap3A_210 = arith.index_cast %add3A_198 : i32 to index
      %swap3A_211 = arith.constant 0 : index
      %swap3A_212 = tpu.vector_load %arg9[%swap3A_210, %swap3A_211] {strides = array<i32>} : memref<128x32xf32, #tpu.memory_space<vmem>>, vector<16xf32>,
      tpu.vector_store %arg9[%swap3A_210, %swap3A_211], %add3A_209 {strides = array<i32>} : memref<128x32xf32, #tpu.memory_space<vmem>>, vector<16xf32>,
      %mul3A_213 = arith.mulf %scan3A_173#3, %div3A_207 : vector<16xf32>
      %add3A_214 = arith.addf %mul3A_213, %get3A_5 : vector<16xf32>
      %swap3A_215 = arith.index_cast %add3A_198 : i32 to index
      %swap3A_216 = arith.constant 16 : index
      %swap3A_217 = tpu.vector_load %arg9[%swap3A_215, %swap3A_216] {strides = array<i32>} : memref<128x32xf32, #tpu.memory_space<vmem>>, vector<16xf32>,
      tpu.vector_store %arg9[%swap3A_215, %swap3A_216], %add3A_214 {strides = array<i32>} : memref<128x32xf32, #tpu.memory_space<vmem>>, vector<16xf32>,
      %mul3A_218 = arith.constant 4 : i32
      %mul3A_219 = arith.muli %mul3A_109, %mul3A_218 : i32
      %add3A_220 = arith.constant 2 : i32
      %add3A_221 = arith.addi %mul3A_219, %add3A_220 : i32
      %swap3A_222 = arith.constant 0 : index
      %swap3A_223 = tpu.vector_load %arg11[%swap3A_222] {strides = array<i32>} : memref<16xf32, #tpu.memory_space<vmem>>, vector<16xf32>,
      tpu.vector_store %arg11[%swap3A_222], %scan3A_173#5 {strides = array<i32>} : memref<16xf32, #tpu.memory_space<vmem>>, vector<16xf32>,
      %add3A_224 = arith.constant 4 : i32
      %add3A_225 = vector.broadcast %add3A_224 : i32 to vector<16xi32>
      %add3A_226 = arith.addi %broadcast_in_dim3A_6, %add3A_225 : vector<16xi32>
      %gather3A_227 = tpu.vector_load_idx %arg11[%add3A_226] : memref<16xf32, #tpu.memory_space<vmem>>[vector<16xi32>], vector<16xf32>,
      %div3A_228 = arith.constant 1.000000e+00 : f32
      %div3A_229 = vector.broadcast %div3A_228 : f32 to vector<16xf32>
      %div3A_230 = arith.divf %div3A_229, %gather3A_227 : vector<16xf32>
      %mul3A_231 = arith.mulf %scan3A_173#4, %div3A_230 : vector<16xf32>
      %add3A_232 = arith.addf %mul3A_231, %get3A_3 : vector<16xf32>
      %swap3A_233 = arith.index_cast %add3A_221 : i32 to index
      %swap3A_234 = arith.constant 0 : index
      %swap3A_235 = tpu.vector_load %arg9[%swap3A_233, %swap3A_234] {strides = array<i32>} : memref<128x32xf32, #tpu.memory_space<vmem>>, vector<16xf32>,
      tpu.vector_store %arg9[%swap3A_233, %swap3A_234], %add3A_232 {strides = array<i32>} : memref<128x32xf32, #tpu.memory_space<vmem>>, vector<16xf32>,
      %mul3A_236 = arith.mulf %scan3A_173#5, %div3A_230 : vector<16xf32>
      %add3A_237 = arith.addf %mul3A_236, %get3A_5 : vector<16xf32>
      %swap3A_238 = arith.index_cast %add3A_221 : i32 to index
      %swap3A_239 = arith.constant 16 : index
      %swap3A_240 = tpu.vector_load %arg9[%swap3A_238, %swap3A_239] {strides = array<i32>} : memref<128x32xf32, #tpu.memory_space<vmem>>, vector<16xf32>,
      tpu.vector_store %arg9[%swap3A_238, %swap3A_239], %add3A_237 {strides = array<i32>} : memref<128x32xf32, #tpu.memory_space<vmem>>, vector<16xf32>,
      %mul3A_241 = arith.constant 4 : i32
      %mul3A_242 = arith.muli %mul3A_109, %mul3A_241 : i32
      %add3A_243 = arith.constant 3 : i32
      %add3A_244 = arith.addi %mul3A_242, %add3A_243 : i32
      %swap3A_245 = arith.constant 0 : index
      %swap3A_246 = tpu.vector_load %arg11[%swap3A_245] {strides = array<i32>} : memref<16xf32, #tpu.memory_space<vmem>>, vector<16xf32>,
      tpu.vector_store %arg11[%swap3A_245], %scan3A_173#7 {strides = array<i32>} : memref<16xf32, #tpu.memory_space<vmem>>, vector<16xf32>,
      %add3A_247 = arith.constant 4 : i32
      %add3A_248 = vector.broadcast %add3A_247 : i32 to vector<16xi32>
      %add3A_249 = arith.addi %broadcast_in_dim3A_6, %add3A_248 : vector<16xi32>
      %gather3A_250 = tpu.vector_load_idx %arg11[%add3A_249] : memref<16xf32, #tpu.memory_space<vmem>>[vector<16xi32>], vector<16xf32>,
      %div3A_251 = arith.constant 1.000000e+00 : f32
      %div3A_252 = vector.broadcast %div3A_251 : f32 to vector<16xf32>
      %div3A_253 = arith.divf %div3A_252, %gather3A_250 : vector<16xf32>
      %mul3A_254 = arith.mulf %scan3A_173#6, %div3A_253 : vector<16xf32>
      %add3A_255 = arith.addf %mul3A_254, %get3A_3 : vector<16xf32>
      %swap3A_256 = arith.index_cast %add3A_244 : i32 to index
      %swap3A_257 = arith.constant 0 : index
      %swap3A_258 = tpu.vector_load %arg9[%swap3A_256, %swap3A_257] {strides = array<i32>} : memref<128x32xf32, #tpu.memory_space<vmem>>, vector<16xf32>,
      tpu.vector_store %arg9[%swap3A_256, %swap3A_257], %add3A_255 {strides = array<i32>} : memref<128x32xf32, #tpu.memory_space<vmem>>, vector<16xf32>,
      %mul3A_259 = arith.mulf %scan3A_173#7, %div3A_253 : vector<16xf32>
      %add3A_260 = arith.addf %mul3A_259, %get3A_5 : vector<16xf32>
      %swap3A_261 = arith.index_cast %add3A_244 : i32 to index
      %swap3A_262 = arith.constant 16 : index
      %swap3A_263 = tpu.vector_load %arg9[%swap3A_261, %swap3A_262] {strides = array<i32>} : memref<128x32xf32, #tpu.memory_space<vmem>>, vector<16xf32>,
      tpu.vector_store %arg9[%swap3A_261, %swap3A_262], %add3A_260 {strides = array<i32>} : memref<128x32xf32, #tpu.memory_space<vmem>>, vector<16xf32>,
      %lt3A_264 = arith.constant 15 : i32
      %lt3A_265 = arith.cmpi slt, %scan3A_57, %lt3A_264 : i32
      %convert_element_type3A_266 = arith.extui %lt3A_265 : i1 to i32
      %cond3A_267 = arith.constant 0 : i32
      %cond3A_268 = arith.cmpi ne, %convert_element_type3A_266, %cond3A_267 : i32
      scf.if %cond3A_268 {
        %mul3A_431 = arith.constant 2 : i32
        %mul3A_432 = arith.muli %mul3A_431, %scan3A_57 : i32
        %add3A_433 = arith.constant 2 : i32
        %add3A_434 = arith.addi %mul3A_432, %add3A_433 : i32
        %mul3A_435 = arith.constant 1024 : i32
        %mul3A_436 = arith.muli %add3A_434, %mul3A_435 : i32
        %add3A_437 = arith.constant 0 : i32
        %add3A_438 = arith.addi %mul3A_436, %add3A_437 : i32
        %mul3A_439 = arith.constant 1024 : i32
        %mul3A_440 = arith.muli %add3A_434, %mul3A_439 : i32
        %add3A_441 = arith.constant 256 : i32
        %add3A_442 = arith.addi %mul3A_440, %add3A_441 : i32
        %mul3A_443 = arith.constant 1024 : i32
        %mul3A_444 = arith.muli %add3A_434, %mul3A_443 : i32
        %add3A_445 = arith.constant 512 : i32
        %add3A_446 = arith.addi %mul3A_444, %add3A_445 : i32
        %mul3A_447 = arith.constant 1024 : i32
        %mul3A_448 = arith.muli %add3A_434, %mul3A_447 : i32
        %add3A_449 = arith.constant 768 : i32
        %add3A_450 = arith.addi %mul3A_448, %add3A_449 : i32
        %dma_start3A_451 = arith.constant 0 : i32
        %dma_start3A_452 = arith.constant 0 : i32
        %dma_start3A_453 = tpu.memref_slice %arg7[%dma_start3A_451, %dma_start3A_452] : memref<800x32xf32, #tpu.memory_space<vmem>> -> memref<200x32xf32, #tpu.memory_space<vmem>>
        %dma_start3A_454 = tpu.memref_slice %arg6[%add3A_438] : memref<32768xi32, #tpu.memory_space<vmem>> -> memref<200xi32, #tpu.memory_space<vmem>>
        %dma_start3A_455 = arith.constant 0 : i32
        %dma_start3A_456 = arith.constant 0 : i32
        %dma_start3A_457 = tpu.memref_slice %arg3[%dma_start3A_455, %dma_start3A_456] : memref<100000x32xf32, #tpu.memory_space<hbm>> -> memref<100000x32xf32, #tpu.memory_space<hbm>>
        tpu.enqueue_indirect_dma source(%dma_start3A_457 : memref<100000x32xf32, #tpu.memory_space<hbm>>) target(%dma_start3A_453 : memref<200x32xf32, #tpu.memory_space<vmem>>) offsets(%dma_start3A_454 : memref<200xi32, #tpu.memory_space<vmem>>) semaphore(%arg12 : memref<!tpu.dma_semaphore, #tpu.memory_space<semaphore_mem>>)
        %dma_start3A_458 = arith.constant 200 : i32
        %dma_start3A_459 = arith.constant 0 : i32
        %dma_start3A_460 = tpu.memref_slice %arg7[%dma_start3A_458, %dma_start3A_459] : memref<800x32xf32, #tpu.memory_space<vmem>> -> memref<200x32xf32, #tpu.memory_space<vmem>>
        %dma_start3A_461 = tpu.memref_slice %arg6[%add3A_442] : memref<32768xi32, #tpu.memory_space<vmem>> -> memref<200xi32, #tpu.memory_space<vmem>>
        %dma_start3A_462 = arith.constant 0 : i32
        %dma_start3A_463 = arith.constant 0 : i32
        %dma_start3A_464 = tpu.memref_slice %arg3[%dma_start3A_462, %dma_start3A_463] : memref<100000x32xf32, #tpu.memory_space<hbm>> -> memref<100000x32xf32, #tpu.memory_space<hbm>>
        tpu.enqueue_indirect_dma source(%dma_start3A_464 : memref<100000x32xf32, #tpu.memory_space<hbm>>) target(%dma_start3A_460 : memref<200x32xf32, #tpu.memory_space<vmem>>) offsets(%dma_start3A_461 : memref<200xi32, #tpu.memory_space<vmem>>) semaphore(%arg13 : memref<!tpu.dma_semaphore, #tpu.memory_space<semaphore_mem>>)
        %dma_start3A_465 = arith.constant 400 : i32
        %dma_start3A_466 = arith.constant 0 : i32
        %dma_start3A_467 = tpu.memref_slice %arg7[%dma_start3A_465, %dma_start3A_466] : memref<800x32xf32, #tpu.memory_space<vmem>> -> memref<200x32xf32, #tpu.memory_space<vmem>>
        %dma_start3A_468 = tpu.memref_slice %arg6[%add3A_446] : memref<32768xi32, #tpu.memory_space<vmem>> -> memref<200xi32, #tpu.memory_space<vmem>>
        %dma_start3A_469 = arith.constant 0 : i32
        %dma_start3A_470 = arith.constant 0 : i32
        %dma_start3A_471 = tpu.memref_slice %arg3[%dma_start3A_469, %dma_start3A_470] : memref<100000x32xf32, #tpu.memory_space<hbm>> -> memref<100000x32xf32, #tpu.memory_space<hbm>>
        tpu.enqueue_indirect_dma source(%dma_start3A_471 : memref<100000x32xf32, #tpu.memory_space<hbm>>) target(%dma_start3A_467 : memref<200x32xf32, #tpu.memory_space<vmem>>) offsets(%dma_start3A_468 : memref<200xi32, #tpu.memory_space<vmem>>) semaphore(%arg12 : memref<!tpu.dma_semaphore, #tpu.memory_space<semaphore_mem>>)
        %dma_start3A_472 = arith.constant 600 : i32
        %dma_start3A_473 = arith.constant 0 : i32
        %dma_start3A_474 = tpu.memref_slice %arg7[%dma_start3A_472, %dma_start3A_473] : memref<800x32xf32, #tpu.memory_space<vmem>> -> memref<200x32xf32, #tpu.memory_space<vmem>>
        %dma_start3A_475 = tpu.memref_slice %arg6[%add3A_450] : memref<32768xi32, #tpu.memory_space<vmem>> -> memref<200xi32, #tpu.memory_space<vmem>>
        %dma_start3A_476 = arith.constant 0 : i32
        %dma_start3A_477 = arith.constant 0 : i32
        %dma_start3A_478 = tpu.memref_slice %arg3[%dma_start3A_476, %dma_start3A_477] : memref<100000x32xf32, #tpu.memory_space<hbm>> -> memref<100000x32xf32, #tpu.memory_space<hbm>>
        tpu.enqueue_indirect_dma source(%dma_start3A_478 : memref<100000x32xf32, #tpu.memory_space<hbm>>) target(%dma_start3A_474 : memref<200x32xf32, #tpu.memory_space<vmem>>) offsets(%dma_start3A_475 : memref<200xi32, #tpu.memory_space<vmem>>) semaphore(%arg13 : memref<!tpu.dma_semaphore, #tpu.memory_space<semaphore_mem>>)
        %mul3A_479 = arith.constant 2 : i32
        %mul3A_480 = arith.muli %mul3A_479, %scan3A_57 : i32
        %add3A_481 = arith.constant 3 : i32
        %add3A_482 = arith.addi %mul3A_480, %add3A_481 : i32
        %mul3A_483 = arith.constant 1024 : i32
        %mul3A_484 = arith.muli %add3A_482, %mul3A_483 : i32
        %scan3A_485 = arith.constant 0 : i32
        %scan3A_486 = arith.constant 0 : i32
        %scan3A_487 = arith.constant 32 : i32
        %scan3A_488 = arith.addi %scan3A_486, %scan3A_487 : i32
        %scan3A_489 = arith.constant 1 : i32
        scf.for %scan3A_491 = %scan3A_486 to %scan3A_488 step %scan3A_489  : i32 {
          %mul3A_492 = arith.constant 32 : i32
          %mul3A_493 = arith.muli %scan3A_491, %mul3A_492 : i32
          %add3A_494 = arith.addi %mul3A_484, %mul3A_493 : i32
          %add3A_495 = arith.constant 0 : i32
          %add3A_496 = arith.addi %add3A_494, %add3A_495 : i32
          %get3A_497 = arith.index_cast %add3A_496 : i32 to index
          %get3A_498 = tpu.vector_load %arg6[%get3A_497] {strides = array<i32>} : memref<32768xi32, #tpu.memory_space<vmem>>, vector<16xi32>,
          %ge3A = arith.constant 25000 : i32
          %ge3A_499 = vector.broadcast %ge3A : i32 to vector<16xi32>
          %ge3A_500 = arith.cmpi sge, %get3A_498, %ge3A_499 : vector<16xi32>
          %jit3A = arith.constant 1 : i32
          %jit3A_501 = arith.constant 0 : i32
          %broadcast_in_dim3A_502 = vector.broadcast %jit3A : i32 to vector<16xi32>
          %broadcast_in_dim3A_503 = vector.broadcast %jit3A_501 : i32 to vector<16xi32>
          %select_n3A = arith.select %ge3A_500, %broadcast_in_dim3A_502, %broadcast_in_dim3A_503 : vector<16xi1>, vector<16xi32>
          %ge3A_504 = arith.constant 50000 : i32
          %ge3A_505 = vector.broadcast %ge3A_504 : i32 to vector<16xi32>
          %ge3A_506 = arith.cmpi sge, %get3A_498, %ge3A_505 : vector<16xi32>
          %jit3A_507 = arith.constant 1 : i32
          %jit3A_508 = arith.constant 0 : i32
          %broadcast_in_dim3A_509 = vector.broadcast %jit3A_507 : i32 to vector<16xi32>
          %broadcast_in_dim3A_510 = vector.broadcast %jit3A_508 : i32 to vector<16xi32>
          %select_n3A_511 = arith.select %ge3A_506, %broadcast_in_dim3A_509, %broadcast_in_dim3A_510 : vector<16xi1>, vector<16xi32>
          %add3A_512 = arith.addi %select_n3A, %select_n3A_511 : vector<16xi32>
          %ge3A_513 = arith.constant 75000 : i32
          %ge3A_514 = vector.broadcast %ge3A_513 : i32 to vector<16xi32>
          %ge3A_515 = arith.cmpi sge, %get3A_498, %ge3A_514 : vector<16xi32>
          %jit3A_516 = arith.constant 1 : i32
          %jit3A_517 = arith.constant 0 : i32
          %broadcast_in_dim3A_518 = vector.broadcast %jit3A_516 : i32 to vector<16xi32>
          %broadcast_in_dim3A_519 = vector.broadcast %jit3A_517 : i32 to vector<16xi32>
          %select_n3A_520 = arith.select %ge3A_515, %broadcast_in_dim3A_518, %broadcast_in_dim3A_519 : vector<16xi1>, vector<16xi32>
          %add3A_521 = arith.addi %add3A_512, %select_n3A_520 : vector<16xi32>
          %mul3A_522 = arith.constant 25000 : i32
          %mul3A_523 = vector.broadcast %mul3A_522 : i32 to vector<16xi32>
          %mul3A_524 = arith.muli %add3A_521, %mul3A_523 : vector<16xi32>
          %sub3A = arith.subi %get3A_498, %mul3A_524 : vector<16xi32>
          %mul3A_525 = arith.constant 4 : i32
          %mul3A_526 = vector.broadcast %mul3A_525 : i32 to vector<16xi32>
          %mul3A_527 = arith.muli %sub3A, %mul3A_526 : vector<16xi32>
          %add3A_528 = arith.addi %mul3A_527, %add3A_521 : vector<16xi32>
          %mul3A_529 = arith.constant 32 : i32
          %mul3A_530 = arith.muli %scan3A_491, %mul3A_529 : i32
          %add3A_531 = arith.addi %mul3A_484, %mul3A_530 : i32
          %add3A_532 = arith.constant 0 : i32
          %add3A_533 = arith.addi %add3A_531, %add3A_532 : i32
          %swap3A_534 = arith.index_cast %add3A_533 : i32 to index
          %swap3A_535 = tpu.vector_load %arg6[%swap3A_534] {strides = array<i32>} : memref<32768xi32, #tpu.memory_space<vmem>>, vector<16xi32>,
          tpu.vector_store %arg6[%swap3A_534], %add3A_528 {strides = array<i32>} : memref<32768xi32, #tpu.memory_space<vmem>>, vector<16xi32>,
          %mul3A_536 = arith.constant 32 : i32
          %mul3A_537 = arith.muli %scan3A_491, %mul3A_536 : i32
          %add3A_538 = arith.addi %mul3A_484, %mul3A_537 : i32
          %add3A_539 = arith.constant 16 : i32
          %add3A_540 = arith.addi %add3A_538, %add3A_539 : i32
          %get3A_541 = arith.index_cast %add3A_540 : i32 to index
          %get3A_542 = tpu.vector_load %arg6[%get3A_541] {strides = array<i32>} : memref<32768xi32, #tpu.memory_space<vmem>>, vector<16xi32>,
          %ge3A_543 = arith.constant 25000 : i32
          %ge3A_544 = vector.broadcast %ge3A_543 : i32 to vector<16xi32>
          %ge3A_545 = arith.cmpi sge, %get3A_542, %ge3A_544 : vector<16xi32>
          %jit3A_546 = arith.constant 1 : i32
          %jit3A_547 = arith.constant 0 : i32
          %broadcast_in_dim3A_548 = vector.broadcast %jit3A_546 : i32 to vector<16xi32>
          %broadcast_in_dim3A_549 = vector.broadcast %jit3A_547 : i32 to vector<16xi32>
          %select_n3A_550 = arith.select %ge3A_545, %broadcast_in_dim3A_548, %broadcast_in_dim3A_549 : vector<16xi1>, vector<16xi32>
          %ge3A_551 = arith.constant 50000 : i32
          %ge3A_552 = vector.broadcast %ge3A_551 : i32 to vector<16xi32>
          %ge3A_553 = arith.cmpi sge, %get3A_542, %ge3A_552 : vector<16xi32>
          %jit3A_554 = arith.constant 1 : i32
          %jit3A_555 = arith.constant 0 : i32
          %broadcast_in_dim3A_556 = vector.broadcast %jit3A_554 : i32 to vector<16xi32>
          %broadcast_in_dim3A_557 = vector.broadcast %jit3A_555 : i32 to vector<16xi32>
          %select_n3A_558 = arith.select %ge3A_553, %broadcast_in_dim3A_556, %broadcast_in_dim3A_557 : vector<16xi1>, vector<16xi32>
          %add3A_559 = arith.addi %select_n3A_550, %select_n3A_558 : vector<16xi32>
          %ge3A_560 = arith.constant 75000 : i32
          %ge3A_561 = vector.broadcast %ge3A_560 : i32 to vector<16xi32>
          %ge3A_562 = arith.cmpi sge, %get3A_542, %ge3A_561 : vector<16xi32>
          %jit3A_563 = arith.constant 1 : i32
          %jit3A_564 = arith.constant 0 : i32
          %broadcast_in_dim3A_565 = vector.broadcast %jit3A_563 : i32 to vector<16xi32>
          %broadcast_in_dim3A_566 = vector.broadcast %jit3A_564 : i32 to vector<16xi32>
          %select_n3A_567 = arith.select %ge3A_562, %broadcast_in_dim3A_565, %broadcast_in_dim3A_566 : vector<16xi1>, vector<16xi32>
          %add3A_568 = arith.addi %add3A_559, %select_n3A_567 : vector<16xi32>
          %mul3A_569 = arith.constant 25000 : i32
          %mul3A_570 = vector.broadcast %mul3A_569 : i32 to vector<16xi32>
          %mul3A_571 = arith.muli %add3A_568, %mul3A_570 : vector<16xi32>
          %sub3A_572 = arith.subi %get3A_542, %mul3A_571 : vector<16xi32>
          %mul3A_573 = arith.constant 4 : i32
          %mul3A_574 = vector.broadcast %mul3A_573 : i32 to vector<16xi32>
          %mul3A_575 = arith.muli %sub3A_572, %mul3A_574 : vector<16xi32>
          %add3A_576 = arith.addi %mul3A_575, %add3A_568 : vector<16xi32>
          %mul3A_577 = arith.constant 32 : i32
          %mul3A_578 = arith.muli %scan3A_491, %mul3A_577 : i32
          %add3A_579 = arith.addi %mul3A_484, %mul3A_578 : i32
          %add3A_580 = arith.constant 16 : i32
          %add3A_581 = arith.addi %add3A_579, %add3A_580 : i32
          %swap3A_582 = arith.index_cast %add3A_581 : i32 to index
          %swap3A_583 = tpu.vector_load %arg6[%swap3A_582] {strides = array<i32>} : memref<32768xi32, #tpu.memory_space<vmem>>, vector<16xi32>,
          tpu.vector_store %arg6[%swap3A_582], %add3A_576 {strides = array<i32>} : memref<32768xi32, #tpu.memory_space<vmem>>, vector<16xi32>,
        }
        %scan3A_490 = arith.constant 32 : i32
      } else {
      }
      %mul3A_269 = arith.constant 2 : i32
      %mul3A_270 = arith.muli %mul3A_269, %scan3A_57 : i32
      %add3A_271 = arith.constant 1 : i32
      %add3A_272 = arith.addi %mul3A_270, %add3A_271 : i32
      %mul3A_273 = arith.constant 1024 : i32
      %mul3A_274 = arith.muli %add3A_272, %mul3A_273 : i32
      %add3A_275 = arith.constant 0 : i32
      %add3A_276 = arith.addi %mul3A_274, %add3A_275 : i32
      %mul3A_277 = arith.constant 1024 : i32
      %mul3A_278 = arith.muli %add3A_272, %mul3A_277 : i32
      %add3A_279 = arith.constant 256 : i32
      %add3A_280 = arith.addi %mul3A_278, %add3A_279 : i32
      %mul3A_281 = arith.constant 1024 : i32
      %mul3A_282 = arith.muli %add3A_272, %mul3A_281 : i32
      %add3A_283 = arith.constant 512 : i32
      %add3A_284 = arith.addi %mul3A_282, %add3A_283 : i32
      %mul3A_285 = arith.constant 1024 : i32
      %mul3A_286 = arith.muli %add3A_272, %mul3A_285 : i32
      %add3A_287 = arith.constant 768 : i32
      %add3A_288 = arith.addi %mul3A_286, %add3A_287 : i32
      %dma_wait3A_289 = arith.constant 0 : i32
      %dma_wait3A_290 = arith.constant 0 : i32
      %dma_wait3A_291 = tpu.memref_slice %arg8[%dma_wait3A_289, %dma_wait3A_290] : memref<800x32xf32, #tpu.memory_space<vmem>> -> memref<200x32xf32, #tpu.memory_space<vmem>>
      %dma_wait3A_292 = tpu.memref_slice %arg6[%add3A_276] : memref<32768xi32, #tpu.memory_space<vmem>> -> memref<200xi32, #tpu.memory_space<vmem>>
      %dma_wait3A_293 = arith.constant 0 : i32
      %dma_wait3A_294 = arith.constant 0 : i32
      %dma_wait3A_295 = tpu.memref_slice %arg3[%dma_wait3A_293, %dma_wait3A_294] : memref<100000x32xf32, #tpu.memory_space<hbm>> -> memref<100000x32xf32, #tpu.memory_space<hbm>>
      tpu.wait_indirect_dma semaphore(%arg14 : memref<!tpu.dma_semaphore, #tpu.memory_space<semaphore_mem>>) src(%dma_wait3A_295 : memref<100000x32xf32, #tpu.memory_space<hbm>>) dst(%dma_wait3A_291 : memref<200x32xf32, #tpu.memory_space<vmem>>)
      %dma_wait3A_296 = arith.constant 200 : i32
      %dma_wait3A_297 = arith.constant 0 : i32
      %dma_wait3A_298 = tpu.memref_slice %arg8[%dma_wait3A_296, %dma_wait3A_297] : memref<800x32xf32, #tpu.memory_space<vmem>> -> memref<200x32xf32, #tpu.memory_space<vmem>>
      %dma_wait3A_299 = tpu.memref_slice %arg6[%add3A_280] : memref<32768xi32, #tpu.memory_space<vmem>> -> memref<200xi32, #tpu.memory_space<vmem>>
      %dma_wait3A_300 = arith.constant 0 : i32
      %dma_wait3A_301 = arith.constant 0 : i32
      %dma_wait3A_302 = tpu.memref_slice %arg3[%dma_wait3A_300, %dma_wait3A_301] : memref<100000x32xf32, #tpu.memory_space<hbm>> -> memref<100000x32xf32, #tpu.memory_space<hbm>>
      tpu.wait_indirect_dma semaphore(%arg15 : memref<!tpu.dma_semaphore, #tpu.memory_space<semaphore_mem>>) src(%dma_wait3A_302 : memref<100000x32xf32, #tpu.memory_space<hbm>>) dst(%dma_wait3A_298 : memref<200x32xf32, #tpu.memory_space<vmem>>)
      %dma_wait3A_303 = arith.constant 400 : i32
      %dma_wait3A_304 = arith.constant 0 : i32
      %dma_wait3A_305 = tpu.memref_slice %arg8[%dma_wait3A_303, %dma_wait3A_304] : memref<800x32xf32, #tpu.memory_space<vmem>> -> memref<200x32xf32, #tpu.memory_space<vmem>>
      %dma_wait3A_306 = tpu.memref_slice %arg6[%add3A_284] : memref<32768xi32, #tpu.memory_space<vmem>> -> memref<200xi32, #tpu.memory_space<vmem>>
      %dma_wait3A_307 = arith.constant 0 : i32
      %dma_wait3A_308 = arith.constant 0 : i32
      %dma_wait3A_309 = tpu.memref_slice %arg3[%dma_wait3A_307, %dma_wait3A_308] : memref<100000x32xf32, #tpu.memory_space<hbm>> -> memref<100000x32xf32, #tpu.memory_space<hbm>>
      tpu.wait_indirect_dma semaphore(%arg14 : memref<!tpu.dma_semaphore, #tpu.memory_space<semaphore_mem>>) src(%dma_wait3A_309 : memref<100000x32xf32, #tpu.memory_space<hbm>>) dst(%dma_wait3A_305 : memref<200x32xf32, #tpu.memory_space<vmem>>)
      %dma_wait3A_310 = arith.constant 600 : i32
      %dma_wait3A_311 = arith.constant 0 : i32
      %dma_wait3A_312 = tpu.memref_slice %arg8[%dma_wait3A_310, %dma_wait3A_311] : memref<800x32xf32, #tpu.memory_space<vmem>> -> memref<200x32xf32, #tpu.memory_space<vmem>>
      %dma_wait3A_313 = tpu.memref_slice %arg6[%add3A_288] : memref<32768xi32, #tpu.memory_space<vmem>> -> memref<200xi32, #tpu.memory_space<vmem>>
      %dma_wait3A_314 = arith.constant 0 : i32
      %dma_wait3A_315 = arith.constant 0 : i32
      %dma_wait3A_316 = tpu.memref_slice %arg3[%dma_wait3A_314, %dma_wait3A_315] : memref<100000x32xf32, #tpu.memory_space<hbm>> -> memref<100000x32xf32, #tpu.memory_space<hbm>>
      tpu.wait_indirect_dma semaphore(%arg15 : memref<!tpu.dma_semaphore, #tpu.memory_space<semaphore_mem>>) src(%dma_wait3A_316 : memref<100000x32xf32, #tpu.memory_space<hbm>>) dst(%dma_wait3A_312 : memref<200x32xf32, #tpu.memory_space<vmem>>)
      %broadcast_in_dim3A_317 = arith.constant 0.000000e+00 : f32
      %broadcast_in_dim3A_318 = vector.broadcast %broadcast_in_dim3A_317 : f32 to vector<16xf32>
      %broadcast_in_dim3A_319 = arith.constant 0.000000e+00 : f32
      %broadcast_in_dim3A_320 = vector.broadcast %broadcast_in_dim3A_319 : f32 to vector<16xf32>
      %broadcast_in_dim3A_321 = arith.constant 0.000000e+00 : f32
      %broadcast_in_dim3A_322 = vector.broadcast %broadcast_in_dim3A_321 : f32 to vector<16xf32>
      %broadcast_in_dim3A_323 = arith.constant 0.000000e+00 : f32
      %broadcast_in_dim3A_324 = vector.broadcast %broadcast_in_dim3A_323 : f32 to vector<16xf32>
      %broadcast_in_dim3A_325 = arith.constant 0.000000e+00 : f32
      %broadcast_in_dim3A_326 = vector.broadcast %broadcast_in_dim3A_325 : f32 to vector<16xf32>
      %broadcast_in_dim3A_327 = arith.constant 0.000000e+00 : f32
      %broadcast_in_dim3A_328 = vector.broadcast %broadcast_in_dim3A_327 : f32 to vector<16xf32>
      %broadcast_in_dim3A_329 = arith.constant 0.000000e+00 : f32
      %broadcast_in_dim3A_330 = vector.broadcast %broadcast_in_dim3A_329 : f32 to vector<16xf32>
      %broadcast_in_dim3A_331 = arith.constant 0.000000e+00 : f32
      %broadcast_in_dim3A_332 = vector.broadcast %broadcast_in_dim3A_331 : f32 to vector<16xf32>
      %scan3A_333 = arith.constant 0 : i32
      %scan3A_334 = arith.constant 200 : i32
      %scan3A_335 = arith.addi %scan3A_333, %scan3A_334 : i32
      %scan3A_336 = arith.constant 1 : i32
      %scan3A_337:8 = scf.for %scan3A_431 = %scan3A_333 to %scan3A_335 step %scan3A_336 iter_args(%scan3A_432 = %broadcast_in_dim3A_318, %scan3A_433 = %broadcast_in_dim3A_320, %scan3A_434 = %broadcast_in_dim3A_322, %scan3A_435 = %broadcast_in_dim3A_324, %scan3A_436 = %broadcast_in_dim3A_326, %scan3A_437 = %broadcast_in_dim3A_328, %scan3A_438 = %broadcast_in_dim3A_330, %scan3A_439 = %broadcast_in_dim3A_332) -> (vector<16xf32>, vector<16xf32>, vector<16xf32>, vector<16xf32>, vector<16xf32>, vector<16xf32>, vector<16xf32>, vector<16xf32>)  : i32 {
        %add3A_440 = arith.constant 0 : i32
        %add3A_441 = arith.addi %add3A_440, %scan3A_431 : i32
        %get3A_442 = arith.index_cast %add3A_441 : i32 to index
        %get3A_443 = arith.constant 0 : index
        %get3A_444 = tpu.vector_load %arg8[%get3A_442, %get3A_443] {strides = array<i32>} : memref<800x32xf32, #tpu.memory_space<vmem>>, vector<16xf32>,
        %add3A_445 = arith.addf %scan3A_432, %get3A_444 : vector<16xf32>
        %add3A_446 = arith.constant 0 : i32
        %add3A_447 = arith.addi %add3A_446, %scan3A_431 : i32
        %get3A_448 = arith.index_cast %add3A_447 : i32 to index
        %get3A_449 = arith.constant 16 : index
        %get3A_450 = tpu.vector_load %arg8[%get3A_448, %get3A_449] {strides = array<i32>} : memref<800x32xf32, #tpu.memory_space<vmem>>, vector<16xf32>,
        %add3A_451 = arith.addf %scan3A_433, %get3A_450 : vector<16xf32>
        %add3A_452 = arith.constant 200 : i32
        %add3A_453 = arith.addi %add3A_452, %scan3A_431 : i32
        %get3A_454 = arith.index_cast %add3A_453 : i32 to index
        %get3A_455 = arith.constant 0 : index
        %get3A_456 = tpu.vector_load %arg8[%get3A_454, %get3A_455] {strides = array<i32>} : memref<800x32xf32, #tpu.memory_space<vmem>>, vector<16xf32>,
        %add3A_457 = arith.addf %scan3A_434, %get3A_456 : vector<16xf32>
        %add3A_458 = arith.constant 200 : i32
        %add3A_459 = arith.addi %add3A_458, %scan3A_431 : i32
        %get3A_460 = arith.index_cast %add3A_459 : i32 to index
        %get3A_461 = arith.constant 16 : index
        %get3A_462 = tpu.vector_load %arg8[%get3A_460, %get3A_461] {strides = array<i32>} : memref<800x32xf32, #tpu.memory_space<vmem>>, vector<16xf32>,
        %add3A_463 = arith.addf %scan3A_435, %get3A_462 : vector<16xf32>
        %add3A_464 = arith.constant 400 : i32
        %add3A_465 = arith.addi %add3A_464, %scan3A_431 : i32
        %get3A_466 = arith.index_cast %add3A_465 : i32 to index
        %get3A_467 = arith.constant 0 : index
        %get3A_468 = tpu.vector_load %arg8[%get3A_466, %get3A_467] {strides = array<i32>} : memref<800x32xf32, #tpu.memory_space<vmem>>, vector<16xf32>,
        %add3A_469 = arith.addf %scan3A_436, %get3A_468 : vector<16xf32>
        %add3A_470 = arith.constant 400 : i32
        %add3A_471 = arith.addi %add3A_470, %scan3A_431 : i32
        %get3A_472 = arith.index_cast %add3A_471 : i32 to index
        %get3A_473 = arith.constant 16 : index
        %get3A_474 = tpu.vector_load %arg8[%get3A_472, %get3A_473] {strides = array<i32>} : memref<800x32xf32, #tpu.memory_space<vmem>>, vector<16xf32>,
        %add3A_475 = arith.addf %scan3A_437, %get3A_474 : vector<16xf32>
        %add3A_476 = arith.constant 600 : i32
        %add3A_477 = arith.addi %add3A_476, %scan3A_431 : i32
        %get3A_478 = arith.index_cast %add3A_477 : i32 to index
        %get3A_479 = arith.constant 0 : index
        %get3A_480 = tpu.vector_load %arg8[%get3A_478, %get3A_479] {strides = array<i32>} : memref<800x32xf32, #tpu.memory_space<vmem>>, vector<16xf32>,
        %add3A_481 = arith.addf %scan3A_438, %get3A_480 : vector<16xf32>
        %add3A_482 = arith.constant 600 : i32
        %add3A_483 = arith.addi %add3A_482, %scan3A_431 : i32
        %get3A_484 = arith.index_cast %add3A_483 : i32 to index
        %get3A_485 = arith.constant 16 : index
        %get3A_486 = tpu.vector_load %arg8[%get3A_484, %get3A_485] {strides = array<i32>} : memref<800x32xf32, #tpu.memory_space<vmem>>, vector<16xf32>,
        %add3A_487 = arith.addf %scan3A_439, %get3A_486 : vector<16xf32>
        scf.yield %add3A_445, %add3A_451, %add3A_457, %add3A_463, %add3A_469, %add3A_475, %add3A_481, %add3A_487 : vector<16xf32>, vector<16xf32>, vector<16xf32>, vector<16xf32>, vector<16xf32>, vector<16xf32>, vector<16xf32>, vector<16xf32>
      }
      %scan3A_338 = arith.constant 200 : i32
      %mul3A_339 = arith.constant 4 : i32
      %mul3A_340 = arith.muli %add3A_272, %mul3A_339 : i32
      %add3A_341 = arith.constant 0 : i32
      %add3A_342 = arith.addi %mul3A_340, %add3A_341 : i32
      %swap3A_343 = arith.constant 0 : index
      %swap3A_344 = tpu.vector_load %arg11[%swap3A_343] {strides = array<i32>} : memref<16xf32, #tpu.memory_space<vmem>>, vector<16xf32>,
      tpu.vector_store %arg11[%swap3A_343], %scan3A_337#1 {strides = array<i32>} : memref<16xf32, #tpu.memory_space<vmem>>, vector<16xf32>,
      %add3A_345 = arith.constant 4 : i32
      %add3A_346 = vector.broadcast %add3A_345 : i32 to vector<16xi32>
      %add3A_347 = arith.addi %broadcast_in_dim3A_6, %add3A_346 : vector<16xi32>
      %gather3A_348 = tpu.vector_load_idx %arg11[%add3A_347] : memref<16xf32, #tpu.memory_space<vmem>>[vector<16xi32>], vector<16xf32>,
      %div3A_349 = arith.constant 1.000000e+00 : f32
      %div3A_350 = vector.broadcast %div3A_349 : f32 to vector<16xf32>
      %div3A_351 = arith.divf %div3A_350, %gather3A_348 : vector<16xf32>
      %mul3A_352 = arith.mulf %scan3A_337#0, %div3A_351 : vector<16xf32>
      %add3A_353 = arith.addf %mul3A_352, %get3A_3 : vector<16xf32>
      %swap3A_354 = arith.index_cast %add3A_342 : i32 to index
      %swap3A_355 = arith.constant 0 : index
      %swap3A_356 = tpu.vector_load %arg9[%swap3A_354, %swap3A_355] {strides = array<i32>} : memref<128x32xf32, #tpu.memory_space<vmem>>, vector<16xf32>,
      tpu.vector_store %arg9[%swap3A_354, %swap3A_355], %add3A_353 {strides = array<i32>} : memref<128x32xf32, #tpu.memory_space<vmem>>, vector<16xf32>,
      %mul3A_357 = arith.mulf %scan3A_337#1, %div3A_351 : vector<16xf32>
      %add3A_358 = arith.addf %mul3A_357, %get3A_5 : vector<16xf32>
      %swap3A_359 = arith.index_cast %add3A_342 : i32 to index
      %swap3A_360 = arith.constant 16 : index
      %swap3A_361 = tpu.vector_load %arg9[%swap3A_359, %swap3A_360] {strides = array<i32>} : memref<128x32xf32, #tpu.memory_space<vmem>>, vector<16xf32>,
      tpu.vector_store %arg9[%swap3A_359, %swap3A_360], %add3A_358 {strides = array<i32>} : memref<128x32xf32, #tpu.memory_space<vmem>>, vector<16xf32>,
      %mul3A_362 = arith.constant 4 : i32
      %mul3A_363 = arith.muli %add3A_272, %mul3A_362 : i32
      %add3A_364 = arith.constant 1 : i32
      %add3A_365 = arith.addi %mul3A_363, %add3A_364 : i32
      %swap3A_366 = arith.constant 0 : index
      %swap3A_367 = tpu.vector_load %arg11[%swap3A_366] {strides = array<i32>} : memref<16xf32, #tpu.memory_space<vmem>>, vector<16xf32>,
      tpu.vector_store %arg11[%swap3A_366], %scan3A_337#3 {strides = array<i32>} : memref<16xf32, #tpu.memory_space<vmem>>, vector<16xf32>,
      %add3A_368 = arith.constant 4 : i32
      %add3A_369 = vector.broadcast %add3A_368 : i32 to vector<16xi32>
      %add3A_370 = arith.addi %broadcast_in_dim3A_6, %add3A_369 : vector<16xi32>
      %gather3A_371 = tpu.vector_load_idx %arg11[%add3A_370] : memref<16xf32, #tpu.memory_space<vmem>>[vector<16xi32>], vector<16xf32>,
      %div3A_372 = arith.constant 1.000000e+00 : f32
      %div3A_373 = vector.broadcast %div3A_372 : f32 to vector<16xf32>
      %div3A_374 = arith.divf %div3A_373, %gather3A_371 : vector<16xf32>
      %mul3A_375 = arith.mulf %scan3A_337#2, %div3A_374 : vector<16xf32>
      %add3A_376 = arith.addf %mul3A_375, %get3A_3 : vector<16xf32>
      %swap3A_377 = arith.index_cast %add3A_365 : i32 to index
      %swap3A_378 = arith.constant 0 : index
      %swap3A_379 = tpu.vector_load %arg9[%swap3A_377, %swap3A_378] {strides = array<i32>} : memref<128x32xf32, #tpu.memory_space<vmem>>, vector<16xf32>,
      tpu.vector_store %arg9[%swap3A_377, %swap3A_378], %add3A_376 {strides = array<i32>} : memref<128x32xf32, #tpu.memory_space<vmem>>, vector<16xf32>,
      %mul3A_380 = arith.mulf %scan3A_337#3, %div3A_374 : vector<16xf32>
      %add3A_381 = arith.addf %mul3A_380, %get3A_5 : vector<16xf32>
      %swap3A_382 = arith.index_cast %add3A_365 : i32 to index
      %swap3A_383 = arith.constant 16 : index
      %swap3A_384 = tpu.vector_load %arg9[%swap3A_382, %swap3A_383] {strides = array<i32>} : memref<128x32xf32, #tpu.memory_space<vmem>>, vector<16xf32>,
      tpu.vector_store %arg9[%swap3A_382, %swap3A_383], %add3A_381 {strides = array<i32>} : memref<128x32xf32, #tpu.memory_space<vmem>>, vector<16xf32>,
      %mul3A_385 = arith.constant 4 : i32
      %mul3A_386 = arith.muli %add3A_272, %mul3A_385 : i32
      %add3A_387 = arith.constant 2 : i32
      %add3A_388 = arith.addi %mul3A_386, %add3A_387 : i32
      %swap3A_389 = arith.constant 0 : index
      %swap3A_390 = tpu.vector_load %arg11[%swap3A_389] {strides = array<i32>} : memref<16xf32, #tpu.memory_space<vmem>>, vector<16xf32>,
      tpu.vector_store %arg11[%swap3A_389], %scan3A_337#5 {strides = array<i32>} : memref<16xf32, #tpu.memory_space<vmem>>, vector<16xf32>,
      %add3A_391 = arith.constant 4 : i32
      %add3A_392 = vector.broadcast %add3A_391 : i32 to vector<16xi32>
      %add3A_393 = arith.addi %broadcast_in_dim3A_6, %add3A_392 : vector<16xi32>
      %gather3A_394 = tpu.vector_load_idx %arg11[%add3A_393] : memref<16xf32, #tpu.memory_space<vmem>>[vector<16xi32>], vector<16xf32>,
      %div3A_395 = arith.constant 1.000000e+00 : f32
      %div3A_396 = vector.broadcast %div3A_395 : f32 to vector<16xf32>
      %div3A_397 = arith.divf %div3A_396, %gather3A_394 : vector<16xf32>
      %mul3A_398 = arith.mulf %scan3A_337#4, %div3A_397 : vector<16xf32>
      %add3A_399 = arith.addf %mul3A_398, %get3A_3 : vector<16xf32>
      %swap3A_400 = arith.index_cast %add3A_388 : i32 to index
      %swap3A_401 = arith.constant 0 : index
      %swap3A_402 = tpu.vector_load %arg9[%swap3A_400, %swap3A_401] {strides = array<i32>} : memref<128x32xf32, #tpu.memory_space<vmem>>, vector<16xf32>,
      tpu.vector_store %arg9[%swap3A_400, %swap3A_401], %add3A_399 {strides = array<i32>} : memref<128x32xf32, #tpu.memory_space<vmem>>, vector<16xf32>,
      %mul3A_403 = arith.mulf %scan3A_337#5, %div3A_397 : vector<16xf32>
      %add3A_404 = arith.addf %mul3A_403, %get3A_5 : vector<16xf32>
      %swap3A_405 = arith.index_cast %add3A_388 : i32 to index
      %swap3A_406 = arith.constant 16 : index
      %swap3A_407 = tpu.vector_load %arg9[%swap3A_405, %swap3A_406] {strides = array<i32>} : memref<128x32xf32, #tpu.memory_space<vmem>>, vector<16xf32>,
      tpu.vector_store %arg9[%swap3A_405, %swap3A_406], %add3A_404 {strides = array<i32>} : memref<128x32xf32, #tpu.memory_space<vmem>>, vector<16xf32>,
      %mul3A_408 = arith.constant 4 : i32
      %mul3A_409 = arith.muli %add3A_272, %mul3A_408 : i32
      %add3A_410 = arith.constant 3 : i32
      %add3A_411 = arith.addi %mul3A_409, %add3A_410 : i32
      %swap3A_412 = arith.constant 0 : index
      %swap3A_413 = tpu.vector_load %arg11[%swap3A_412] {strides = array<i32>} : memref<16xf32, #tpu.memory_space<vmem>>, vector<16xf32>,
      tpu.vector_store %arg11[%swap3A_412], %scan3A_337#7 {strides = array<i32>} : memref<16xf32, #tpu.memory_space<vmem>>, vector<16xf32>,
      %add3A_414 = arith.constant 4 : i32
      %add3A_415 = vector.broadcast %add3A_414 : i32 to vector<16xi32>
      %add3A_416 = arith.addi %broadcast_in_dim3A_6, %add3A_415 : vector<16xi32>
      %gather3A_417 = tpu.vector_load_idx %arg11[%add3A_416] : memref<16xf32, #tpu.memory_space<vmem>>[vector<16xi32>], vector<16xf32>,
      %div3A_418 = arith.constant 1.000000e+00 : f32
      %div3A_419 = vector.broadcast %div3A_418 : f32 to vector<16xf32>
      %div3A_420 = arith.divf %div3A_419, %gather3A_417 : vector<16xf32>
      %mul3A_421 = arith.mulf %scan3A_337#6, %div3A_420 : vector<16xf32>
      %add3A_422 = arith.addf %mul3A_421, %get3A_3 : vector<16xf32>
      %swap3A_423 = arith.index_cast %add3A_411 : i32 to index
      %swap3A_424 = arith.constant 0 : index
      %swap3A_425 = tpu.vector_load %arg9[%swap3A_423, %swap3A_424] {strides = array<i32>} : memref<128x32xf32, #tpu.memory_space<vmem>>, vector<16xf32>,
      tpu.vector_store %arg9[%swap3A_423, %swap3A_424], %add3A_422 {strides = array<i32>} : memref<128x32xf32, #tpu.memory_space<vmem>>, vector<16xf32>,
      %mul3A_426 = arith.mulf %scan3A_337#7, %div3A_420 : vector<16xf32>
      %add3A_427 = arith.addf %mul3A_426, %get3A_5 : vector<16xf32>
      %swap3A_428 = arith.index_cast %add3A_411 : i32 to index
      %swap3A_429 = arith.constant 16 : index
      %swap3A_430 = tpu.vector_load %arg9[%swap3A_428, %swap3A_429] {strides = array<i32>} : memref<128x32xf32, #tpu.memory_space<vmem>>, vector<16xf32>,
      tpu.vector_store %arg9[%swap3A_428, %swap3A_429], %add3A_427 {strides = array<i32>} : memref<128x32xf32, #tpu.memory_space<vmem>>, vector<16xf32>,
    }
    %scan3A_54 = arith.constant 16 : i32
    %mul3A_55 = arith.constant 128 : i32
    %mul3A_56 = arith.muli %add3A, %mul3A_55 : i32
    "tpu.region"() ({
      %run_scoped3A = tpu.sem_alloc : memref<!tpu.dma_semaphore, #tpu.memory_space<semaphore_mem>>
      %dma_start3A_57 = arith.constant 0 : i32
      %dma_start3A_58 = tpu.memref_slice %arg5[%mul3A_56, %dma_start3A_57] : memref<4096x32xf32, #tpu.memory_space<hbm>> -> memref<128x32xf32, #tpu.memory_space<hbm>>
      %dma_start3A_59 = arith.constant 0 : i32
      %dma_start3A_60 = tpu.memref_slice %arg5[%mul3A_56, %dma_start3A_59] : memref<4096x32xf32, #tpu.memory_space<hbm>> -> memref<128x32xf32, #tpu.memory_space<hbm>>
      tpu.enqueue_dma source(%arg9 : memref<128x32xf32, #tpu.memory_space<vmem>>) target(%dma_start3A_60 : memref<128x32xf32, #tpu.memory_space<hbm>>) target_semaphore(%run_scoped3A : memref<!tpu.dma_semaphore, #tpu.memory_space<semaphore_mem>>)
      %dma_wait3A = arith.constant 0 : i32
      %dma_wait3A_61 = tpu.memref_slice %arg5[%mul3A_56, %dma_wait3A] : memref<4096x32xf32, #tpu.memory_space<hbm>> -> memref<128x32xf32, #tpu.memory_space<hbm>>
      %dma_wait3A_62 = arith.constant 0 : i32
      %dma_wait3A_63 = tpu.memref_slice %arg5[%mul3A_56, %dma_wait3A_62] : memref<4096x32xf32, #tpu.memory_space<hbm>> -> memref<128x32xf32, #tpu.memory_space<hbm>>
      tpu.wait_dma2 semaphore(%run_scoped3A : memref<!tpu.dma_semaphore, #tpu.memory_space<semaphore_mem>>) src(%arg9 : memref<128x32xf32, #tpu.memory_space<vmem>>) dst(%dma_wait3A_63 : memref<128x32xf32, #tpu.memory_space<hbm>>)
      tpu.yield
    }) : () -> ()
    return
  }
}

module attributes {stable_mosaic.version = 14 : i64} {
  func.func @_fold_body(%arg0: i32, %arg1: memref<5000x128xf32, #tpu.memory_space<vmem>>, %arg2: memref<5000x128xf32, #tpu.memory_space<vmem>>, %arg3: memref<5000x128xf32, #tpu.memory_space<vmem>>, %arg4: memref<5000x128xf32, #tpu.memory_space<vmem>>, %arg5: memref<32x128xf32, #tpu.memory_space<vmem>>, %arg6: memref<5000x128xf32, #tpu.memory_space<vmem>>) attributes {dimension_semantics = [#tpu.dimension_semantics<arbitrary>], iteration_bounds = array<i64: 5>, scalar_prefetch = 0 : i64, scratch_operands = 0 : i64, tpu.core_type = #tpu.core_type<tc>, window_params = [{transform_indices = @transform_0, window_bounds = array<i64: 5000, 128>}, {transform_indices = @transform_1, window_bounds = array<i64: 5000, 128>}, {transform_indices = @transform_2, window_bounds = array<i64: 5000, 128>}, {transform_indices = @transform_3, window_bounds = array<i64: 5000, 128>}, {pipeline_mode = #tpu.pipeline_mode<synchronous>, transform_indices = @transform_4, window_bounds = array<i64: 32, 128>}, {transform_indices = @transform_5, window_bounds = array<i64: 5000, 128>}]} {
    %iota3A = tpu.iota {dimensions = array<i32: 1>} : vector<5000x32xi32>
    %iota3A_0 = tpu.iota {dimensions = array<i32: 0>} : vector<5000x32xi32>
    %get3A = arith.constant 0 : index
    %get3A_1 = arith.constant 0 : index
    %get3A_2 = vector.load %arg1[%get3A, %get3A_1] : memref<5000x128xf32, #tpu.memory_space<vmem>>, vector<5000x128xf32>
    %get3A_3 = arith.constant 0 : index
    %get3A_4 = arith.constant 0 : index
    %get3A_5 = vector.load %arg5[%get3A_3, %get3A_4] : memref<32x128xf32, #tpu.memory_space<vmem>>, vector<32x128xf32>
    %dot_general3A = arith.constant dense<0.000000e+00> : vector<5000x32xf32>
    %dot_general3A_6 = tpu.matmul %get3A_2, %get3A_5, %dot_general3A {dimension_numbers = #tpu.dot_dimension_numbers<[1], [1], [0], [0], [0, 0, 1, 0], [], []>, transpose_lhs_hint = false} : vector<5000x128xf32>, vector<32x128xf32>, vector<5000x32xf32> -> vector<5000x32xf32>
    %eq3A = arith.constant 20 : i32
    %eq3A_7 = vector.broadcast %eq3A : i32 to vector<5000x32xi32>
    %eq3A_8 = arith.cmpi eq, %iota3A, %eq3A_7 : vector<5000x32xi32>
    %mul3A = arith.constant 5000 : i32
    %mul3A_9 = arith.muli %arg0, %mul3A : i32
    %add3A = vector.broadcast %mul3A_9 : i32 to vector<5000x32xi32>
    %add3A_10 = arith.addi %iota3A_0, %add3A : vector<5000x32xi32>
    %ne3A = arith.constant 0 : i32
    %ne3A_11 = vector.broadcast %ne3A : i32 to vector<5000x32xi32>
    %ne3A_12 = arith.cmpi ne, %add3A_10, %ne3A_11 : vector<5000x32xi32>
    %and3A = arith.andi %eq3A_8, %ne3A_12 : vector<5000x32xi1>
    %jit3A = arith.constant 1.000000e+00 : f32
    %jit3A_13 = arith.constant 0.000000e+00 : f32
    %broadcast_in_dim3A = vector.broadcast %jit3A : f32 to vector<5000x32xf32>
    %broadcast_in_dim3A_14 = vector.broadcast %jit3A_13 : f32 to vector<5000x32xf32>
    %select_n3A = arith.select %and3A, %broadcast_in_dim3A, %broadcast_in_dim3A_14 : vector<5000x32xi1>, vector<5000x32xf32>
    %add3A_15 = arith.addf %dot_general3A_6, %select_n3A : vector<5000x32xf32>
    %get3A_16 = arith.constant 0 : index
    %get3A_17 = arith.constant 0 : index
    %get3A_18 = vector.load %arg2[%get3A_16, %get3A_17] : memref<5000x128xf32, #tpu.memory_space<vmem>>, vector<5000x128xf32>
    %get3A_19 = arith.constant 0 : index
    %get3A_20 = arith.constant 0 : index
    %get3A_21 = vector.load %arg5[%get3A_19, %get3A_20] : memref<32x128xf32, #tpu.memory_space<vmem>>, vector<32x128xf32>
    %dot_general3A_22 = arith.constant dense<0.000000e+00> : vector<5000x32xf32>
    %dot_general3A_23 = tpu.matmul %get3A_18, %get3A_21, %dot_general3A_22 {dimension_numbers = #tpu.dot_dimension_numbers<[1], [1], [0], [0], [0, 0, 1, 0], [], []>, transpose_lhs_hint = false} : vector<5000x128xf32>, vector<32x128xf32>, vector<5000x32xf32> -> vector<5000x32xf32>
    %eq3A_24 = arith.constant 20 : i32
    %eq3A_25 = vector.broadcast %eq3A_24 : i32 to vector<5000x32xi32>
    %eq3A_26 = arith.cmpi eq, %iota3A, %eq3A_25 : vector<5000x32xi32>
    %jit3A_27 = arith.constant 1.000000e+00 : f32
    %jit3A_28 = arith.constant 0.000000e+00 : f32
    %broadcast_in_dim3A_29 = vector.broadcast %jit3A_27 : f32 to vector<5000x32xf32>
    %broadcast_in_dim3A_30 = vector.broadcast %jit3A_28 : f32 to vector<5000x32xf32>
    %select_n3A_31 = arith.select %eq3A_26, %broadcast_in_dim3A_29, %broadcast_in_dim3A_30 : vector<5000x32xi1>, vector<5000x32xf32>
    %add3A_32 = arith.addf %dot_general3A_23, %select_n3A_31 : vector<5000x32xf32>
    %get3A_33 = arith.constant 0 : index
    %get3A_34 = arith.constant 0 : index
    %get3A_35 = vector.load %arg3[%get3A_33, %get3A_34] : memref<5000x128xf32, #tpu.memory_space<vmem>>, vector<5000x128xf32>
    %get3A_36 = arith.constant 0 : index
    %get3A_37 = arith.constant 0 : index
    %get3A_38 = vector.load %arg5[%get3A_36, %get3A_37] : memref<32x128xf32, #tpu.memory_space<vmem>>, vector<32x128xf32>
    %dot_general3A_39 = arith.constant dense<0.000000e+00> : vector<5000x32xf32>
    %dot_general3A_40 = tpu.matmul %get3A_35, %get3A_38, %dot_general3A_39 {dimension_numbers = #tpu.dot_dimension_numbers<[1], [1], [0], [0], [0, 0, 1, 0], [], []>, transpose_lhs_hint = false} : vector<5000x128xf32>, vector<32x128xf32>, vector<5000x32xf32> -> vector<5000x32xf32>
    %eq3A_41 = arith.constant 20 : i32
    %eq3A_42 = vector.broadcast %eq3A_41 : i32 to vector<5000x32xi32>
    %eq3A_43 = arith.cmpi eq, %iota3A, %eq3A_42 : vector<5000x32xi32>
    %jit3A_44 = arith.constant 1.000000e+00 : f32
    %jit3A_45 = arith.constant 0.000000e+00 : f32
    %broadcast_in_dim3A_46 = vector.broadcast %jit3A_44 : f32 to vector<5000x32xf32>
    %broadcast_in_dim3A_47 = vector.broadcast %jit3A_45 : f32 to vector<5000x32xf32>
    %select_n3A_48 = arith.select %eq3A_43, %broadcast_in_dim3A_46, %broadcast_in_dim3A_47 : vector<5000x32xi1>, vector<5000x32xf32>
    %add3A_49 = arith.addf %dot_general3A_40, %select_n3A_48 : vector<5000x32xf32>
    %get3A_50 = arith.constant 0 : index
    %get3A_51 = arith.constant 0 : index
    %get3A_52 = vector.load %arg4[%get3A_50, %get3A_51] : memref<5000x128xf32, #tpu.memory_space<vmem>>, vector<5000x128xf32>
    %get3A_53 = arith.constant 0 : index
    %get3A_54 = arith.constant 0 : index
    %get3A_55 = vector.load %arg5[%get3A_53, %get3A_54] : memref<32x128xf32, #tpu.memory_space<vmem>>, vector<32x128xf32>
    %dot_general3A_56 = arith.constant dense<0.000000e+00> : vector<5000x32xf32>
    %dot_general3A_57 = tpu.matmul %get3A_52, %get3A_55, %dot_general3A_56 {dimension_numbers = #tpu.dot_dimension_numbers<[1], [1], [0], [0], [0, 0, 1, 0], [], []>, transpose_lhs_hint = false} : vector<5000x128xf32>, vector<32x128xf32>, vector<5000x32xf32> -> vector<5000x32xf32>
    %eq3A_58 = arith.constant 20 : i32
    %eq3A_59 = vector.broadcast %eq3A_58 : i32 to vector<5000x32xi32>
    %eq3A_60 = arith.cmpi eq, %iota3A, %eq3A_59 : vector<5000x32xi32>
    %jit3A_61 = arith.constant 1.000000e+00 : f32
    %jit3A_62 = arith.constant 0.000000e+00 : f32
    %broadcast_in_dim3A_63 = vector.broadcast %jit3A_61 : f32 to vector<5000x32xf32>
    %broadcast_in_dim3A_64 = vector.broadcast %jit3A_62 : f32 to vector<5000x32xf32>
    %select_n3A_65 = arith.select %eq3A_60, %broadcast_in_dim3A_63, %broadcast_in_dim3A_64 : vector<5000x32xi1>, vector<5000x32xf32>
    %add3A_66 = arith.addf %dot_general3A_57, %select_n3A_65 : vector<5000x32xf32>
    %concatenate3A = tpu.concatenate %add3A_15, %add3A_32, %add3A_49, %add3A_66 in 1 : vector<5000x32xf32>, vector<5000x32xf32>, vector<5000x32xf32>, vector<5000x32xf32> -> vector<5000x128xf32>
    %swap3A = arith.constant 0 : index
    %swap3A_67 = arith.constant 0 : index
    %swap3A_68 = vector.load %arg6[%swap3A, %swap3A_67] : memref<5000x128xf32, #tpu.memory_space<vmem>>, vector<5000x128xf32>
    tpu.vector_store %arg6[%swap3A, %swap3A_67], %concatenate3A {strides = array<i32>} : memref<5000x128xf32, #tpu.memory_space<vmem>>, vector<5000x128xf32>,
    return
  }
  func.func @transform_0(%arg0: i32) -> (i32, i32) {
    %add3A = arith.constant 0 : i32
    %add3A_0 = arith.addi %add3A, %arg0 : i32
    %c0_i32 = arith.constant 0 : i32
    %c0_i32_1 = arith.constant 0 : i32
    return %add3A_0, %c0_i32 : i32, i32
  }
  func.func @transform_1(%arg0: i32) -> (i32, i32) {
    %add3A = arith.constant 5 : i32
    %add3A_0 = arith.addi %add3A, %arg0 : i32
    %c0_i32 = arith.constant 0 : i32
    %c0_i32_1 = arith.constant 0 : i32
    return %add3A_0, %c0_i32 : i32, i32
  }
  func.func @transform_2(%arg0: i32) -> (i32, i32) {
    %add3A = arith.constant 10 : i32
    %add3A_0 = arith.addi %add3A, %arg0 : i32
    %c0_i32 = arith.constant 0 : i32
    %c0_i32_1 = arith.constant 0 : i32
    return %add3A_0, %c0_i32 : i32, i32
  }
  func.func @transform_3(%arg0: i32) -> (i32, i32) {
    %add3A = arith.constant 15 : i32
    %add3A_0 = arith.addi %add3A, %arg0 : i32
    %c0_i32 = arith.constant 0 : i32
    %c0_i32_1 = arith.constant 0 : i32
    return %add3A_0, %c0_i32 : i32, i32
  }
  func.func @transform_4(%arg0: i32) -> (i32, i32) {
    %c0_i32 = arith.constant 0 : i32
    %c0_i32_0 = arith.constant 0 : i32
    %c0_i32_1 = arith.constant 0 : i32
    return %c0_i32, %c0_i32_0 : i32, i32
  }
  func.func @transform_5(%arg0: i32) -> (i32, i32) {
    %c0_i32 = arith.constant 0 : i32
    %c0_i32_0 = arith.constant 0 : i32
    return %arg0, %c0_i32 : i32, i32
  }
}

</mosaic_0001>

<sc_bundles>
// kernel: kernel.4.cloned.1.call-start
scs
__scs_entry_jumppad:
0x0: {  	(pc) =	sbr.rel $0x88, $3  }
0x1: {  	(tag) =	ssettag $0x0;
	lr =	simm.s32 $0x1  }
0x2: {  	[smem:$0x3F9D] =	sst lr;
	_ =	strace $0xD0000000  }
0x3: {  	_ = 	snop  }
0x4: {  	_ = 	snop  }
0x5: {  	_ = 	snop  }
0x6: {  	_ = 	snop  }
0x7: {  	_ = 	snop  }
__scs_overlays_trampoline_lowered:
0x8: {  	[smem:$0x3FAC] =	sst s0  }
0x9: {  	[smem:$0x3FAD] =	sst s1  }
0xa: {  	[smem:$0x3FAE] =	sst s2  }
0xb: {  	[smem:$0x3FAF] =	sst s3  }
0xc: {  	[smem:$0x3FB0] =	sst s4  }
0xd: {  	[smem:$0x3FB1] =	sst s5  }
0xe: {  	[smem:$0x3FB2] =	sst s6  }
0xf: {  	[smem:$0x3FB3] =	sst s7  }
0x10: {  	[smem:$0x3FB4] =	sst s8  }
0x11: {  	[smem:$0x3FB5] =	sst s9;
	s0 =	simm.s32 @!p0 $0x0  }
0x12: {  	s1 =	sld [smem:$0x3F9B];
	s0 =	simm.s32 @p0 $0x1  }
0x13: {  	[smem:$0x3FB6] =	sst s0;
	s0 =	simm.s32 @!p1 $0x0  }
0x14: {  	s2 =	sld [smem:$0x3F9A];
	s0 =	simm.s32 @p1 $0x1  }
0x15: {  	[smem:$0x3FB7] =	sst s0;
	s0 =	simm.s32 @!p2 $0x0  }
0x16: {  	s3 =	sld [smem:$0x3FDB];
	s0 =	simm.s32 @p2 $0x1  }
0x17: {  	s4 =	simm.s32 $0x1BF5;
	[smem:$0x3FB9] =	sst s0  }
0x18: {  	s0 =	sld [smem:$0x3F9C];
	_ =	swait.ge [sflag:s4], $0x0  }
0x19: {  	s7 =	sld [smem:$0x3F9D]  }
0x1a: {  	s8 =	sadd.s32 $0xFFFFE003, lr  }
0x1b: {  	s9 =	sadd.s32 $0xFFFFFEF7, lr;
	s5 =	simm.s32 $0xFFFFFFFF;
	p2 =	slt.u32 s8, $0xFFFFF086  }
0x1c: {  	p1 =	slt.u32 s9, $0xF7A;
	s5 =	simm.s32 @!p2 $0x0  }
0x1d: {  	s5 =	simm.s32 @p1 $0x1;
	p0 =	seq.s32 s7, s2  }
0x1e: {  	s7 =	smul.u32 @!p0 $0xF7A, s2;
	p2 =	seq.s32 @!p0 s5, $0x0  }
0x1f: {  	s9 =	smul.u32 $0xF7A, s1;
	s8 =	simm.s32 @!p0 $0x1BF5;
	p2 =	por !p2, p0  }
0x20: {  	[sflag:s8] =	ssyncset.s32 @!p0 $0xFFFFF086;
	s6 =	sadd.s32 @!p0 s3, s7;
	s7 =	simm.s32 @!p0 $0x108  }
0x21: {  	s3 =	sadd.s32 s3, s9;
	s6 =	sadd.s32 @!p0 $0x88, s6;
	s7 =	simm.s32 @p2 $0x1082  }
0x22: {  	[simem:s7], [sflag:s8] =	dma.local @!p0 [hbm:s6], $0xF7A  }
0x23: {  	s9 =	sor.u32 $0xD0000000, s2;
	s6 =	simm.s32 $0x108;
	_ =	swait.ge @!p0 [sflag:s8], $0x0  }
0x24: {  	s3 =	sadd.s32 $0x88, s3;
	s6 =	simm.s32 @!p1 $0x1082;
	[sflag:s4] =	ssyncset.s32 $0xFFFFF086  }
0x25: {  	[simem:s6], [sflag:s4] =	dma.local [hbm:s3], $0xF7A  }
0x26: {  	[smem:$0x3F9D] =	sst s1;
	(tag) =	ssettag s2;
	_ =	strace s9  }
0x27: {  	s1 =	sld [smem:$0x3FAD]  }
0x28: {  	s2 =	sld [smem:$0x3FAE]  }
0x29: {  	s4 =	sld [smem:$0x3FB0]  }
0x2a: {  	p0 =	seq.s32 s5, $0x0;
	s5 =	sld [smem:$0x3FB1]  }
0x2b: {  	s6 =	sld [smem:$0x3FB2]  }
0x2c: {  	s7 =	sld [smem:$0x3FB3]  }
0x2d: {  	s3 =	simm.s32 $0x108;
	s8 =	sld [smem:$0x3FB4]  }
0x2e: {  	s3 =	simm.s32 @!p0 $0x1082;
	s9 =	sld [smem:$0x3FB5]  }
0x2f: {  	lr =	sadd.s32 s0, s3;
	s0 =	sld [smem:$0x3FAC]  }
0x30: {  	s3 =	sld [smem:$0x3FAF]  }
0x31: {  	[smem:$0x3FB8] =	sst s10  }
0x32: {  	s10 =	sld [smem:$0x3FB6];
	_ =	sdelay $0x3  }
0x33: {  	p0 =	seq.s32 s10, $0x1;
	s10 =	sld [smem:$0x3FB8];
	_ =	sdelay $0x3  }
0x34: {  	[smem:$0x3FB8] =	sst s10  }
0x35: {  	s10 =	sld [smem:$0x3FB7];
	_ =	sdelay $0x3  }
0x36: {  	p1 =	seq.s32 s10, $0x1;
	s10 =	sld [smem:$0x3FB8];
	_ =	sdelay $0x3  }
0x37: {  	[smem:$0x3FB8] =	sst s10  }
0x38: {  	s10 =	sld [smem:$0x3FB9]  }
0x39: {  	_ = 	snop;
	(pc) =	sbr.ind lr, $3  }
0x3a: {  	_ = 	snop  }
0x3b: {  	_ = 	snop  }
0x3c: {  	p2 =	seq.s32 s10, $0x1;
	s10 =	sld [smem:$0x3FB8]  }
0x3d: {  	_ =	shalt  }
0x3e: {  	_ =	shalt  }
0x3f: {  	_ =	shalt  }
0x40: {  	_ =	shalt  }
0x41: {  	_ =	shalt  }
0x42: {  	_ =	shalt  }
0x43: {  	_ =	shalt  }
0x44: {  	_ =	shalt  }
0x45: {  	_ =	shalt  }
0x46: {  	_ =	shalt  }
0x47: {  	_ =	shalt  }
0x48: {  	_ =	shalt  }
0x49: {  	_ =	shalt  }
0x4a: {  	_ =	shalt  }
0x4b: {  	_ =	shalt  }
0x4c: {  	_ =	shalt  }
0x4d: {  	_ =	shalt  }
0x4e: {  	_ =	shalt  }
0x4f: {  	_ =	shalt  }
0x50: {  	_ =	shalt  }
0x51: {  	_ =	shalt  }
0x52: {  	_ =	shalt  }
0x53: {  	_ =	shalt  }
0x54: {  	_ =	shalt  }
0x55: {  	_ =	shalt  }
0x56: {  	_ =	shalt  }
0x57: {  	_ =	shalt  }
0x58: {  	_ =	shalt  }
0x59: {  	_ =	shalt  }
0x5a: {  	_ =	shalt  }
0x5b: {  	_ =	shalt  }
0x5c: {  	_ =	shalt  }
0x5d: {  	_ =	shalt  }
0x5e: {  	_ =	shalt  }
0x5f: {  	_ =	shalt  }
0x60: {  	_ =	shalt  }
0x61: {  	_ =	shalt  }
0x62: {  	_ =	shalt  }
0x63: {  	_ =	shalt  }
0x64: {  	_ =	shalt  }
0x65: {  	_ =	shalt  }
0x66: {  	_ =	shalt  }
0x67: {  	_ =	shalt  }
0x68: {  	_ =	shalt  }
0x69: {  	_ =	shalt  }
0x6a: {  	_ =	shalt  }
0x6b: {  	_ =	shalt  }
0x6c: {  	_ =	shalt  }
0x6d: {  	_ =	shalt  }
0x6e: {  	_ =	shalt  }
0x6f: {  	_ =	shalt  }
0x70: {  	_ =	shalt  }
0x71: {  	_ =	shalt  }
0x72: {  	_ =	shalt  }
0x73: {  	_ =	shalt  }
0x74: {  	_ =	shalt  }
0x75: {  	_ =	shalt  }
0x76: {  	_ =	shalt  }
0x77: {  	_ =	shalt  }
0x78: {  	_ =	shalt  }
0x79: {  	_ =	shalt  }
0x7a: {  	_ =	shalt  }
0x7b: {  	_ =	shalt  }
0x7c: {  	_ =	shalt  }
0x7d: {  	_ =	shalt  }
0x7e: {  	_ =	shalt  }
0x7f: {  	_ =	shalt  }
0x80: {  	_ =	shalt  }
0x81: {  	_ =	shalt  }
0x82: {  	_ =	shalt  }
0x83: {  	_ =	shalt  }
0x84: {  	_ =	shalt  }
0x85: {  	_ =	shalt  }
0x86: {  	_ =	shalt  }
0x87: {  	_ =	shalt  }
.Lfunc_end0:
.L_simem_size_0:
called_computation_lowered:
.L_overlay_start_0:
0x88: {  	s2 =	sld [smem:$0x3FD9]  }
0x89: {  	s3 =	sld [smem:$0x3FFE];
	_ =	sdelay $0x1  }
0x8a: {  	s1 =	srdreg.scid  }
0x8b: {  	s0 =	sand.u32 $0x1, s1  }
0x8c: {  	s17 =	sshll.u32 s0, $0xA;
	s2 =	sadd.s32 s3, s2  }
0x8d: {  	s2 =	sadd.s32 s2, s17  }
0x8e: {  	[smem:$0x3FC4] =	sst s2  }
0x8f: {  	_ = 	snop  }
0x90: {  	s2 =	sld [smem:$0x3FD0];
	(tm) =	ssettm $0x1  }
0x91: {  	s18 =	sld [smem:$0x3FFB];
	_ =	sdelay $0x3  }
0x92: {  	_ =	strace s18  }
0x93: {  	s3 =	sld [smem:$0x3FFC];
	_ =	sdelay $0x3  }
0x94: {  	_ =	strace s3  }
0x95: {  	s3 =	sld [smem:$0x3FFD];
	_ =	sdelay $0x3  }
0x96: {  	_ =	strace s3  }
0x97: {  	_ =	strace $0x8FFFFFFF  }
0x98: {  	s19 =	sld [smem:$0x3FDB];
	_ =	sdelay $0x1  }
0x99: {  	s4 =	simm.s32 $_scs_section_size  }
0x9a: {  	s5 =	simm.s32 $_size__tile_overlayer_lowered;
	s6 =	simm.s32 $_tile_overlayer_lowered  }
0x9b: {  	s22 =	simm.s32 $0x1BFF;
	s21 =	sshll.u32 s6, $0x1;
	s3 =	sadd.s32 s4, s19  }
0x9c: {  	s7 =	simm.s32 $0x0;
	s20 =	sshll.u32 s5, $0x1;
	s5 =	sadd.s32 s21, s3  }
0x9d: {  	[timem:s7], [sflag:s22] =	dma.local [hbm:s5], s20  }
0x9e: {  	_ =	swait.ge [sflag:s22], s20  }
0x9f: {  	s4 =	ssub.s32 $0x0, s20;
	[sflag:s22] =	ssyncset.done $0x0  }
0xa0: {  	[sflag:s22] =	ssyncadd.s32 s4;
	_ =	sdelay $0x1  }
0xa1: {  	s23 =	simm.s32 $0x1B8B  }
0xa2: {  	_ =	swait.ge [sflag:s23], $0x1  }
0xa3: {  	[sflag:s23] =	ssyncset.done $0x0  }
0xa4: {  	s25 =	simm.s32 $0x1B8E;
	s24 =	sld [smem:$0x3FFE];
	[sflag:s23] =	ssyncadd.s32 $0xFFFFFFFF  }
0xa5: {  	s26 =	simm.s32 $execute0_lowered;
	[smem:$0x3FD2] =	sst s25  }
0xa6: {  	s5 =	sshll.u32 s26, $0x1;
	_ =	strace $0x80000046;
	[dreg:$0x1] =	wrdreg $0xFFFFFFFF  }
0xa7: {  	s28 =	simm.s32 $_size_execute0_lowered;
	s3 =	sadd.s32 s3, s5;
	[dreg:$0x0] =	wrdreg $0x0  }
0xa8: {  	s5 =	sshll.u32 s28, $0x1;
	[dreg:$0x2] =	wrdreg s3  }
0xa9: {  	[dreg:$0x3] =	wrdreg s5  }
0xaa: {  	[dreg:$0x4] =	wrdreg $0xC0  }
0xab: {  	_ =	task [dreg:s7], $0x5FFFF  }
0xac: {  	[dreg:$0x1] =	wrdreg $0xFFFFFFFF  }
0xad: {  	[dreg:$0x0] =	wrdreg $0x60  }
0xae: {  	[dreg:$0x2] =	wrdreg s24  }
0xaf: {  	[dreg:$0x3] =	wrdreg s2  }
0xb0: {  	[dreg:$0x4] =	wrdreg $0x9  }
0xb1: {  	_ =	task.clear_ibuf [dreg:s7], $0x5FFFF;
	_ =	strace $0x90000046  }
0xb2: {  	s29 =	simm.s32 $0x9;
	_ =	strace $0x80000048  }
0xb3: {  	_ =	swait.ge [sflag:s29], $0x1  }
0xb4: {  	[sflag:s29] =	ssyncadd.s32 $0xFFFFFFFF  }
0xb5: {  	_ =	strace $0x90000048  }
0xb6: {  	_ =	sfence  }
0xb7: {  	s30 =	sld [smem:$0x0];
	_ =	sdelay $0x2  }
0xb8: {  	s31 =	sshll.u32 s1, $0xD;
	s1 =	sshrl.u32 s1, $0x2  }
0xb9: {  	s3 =	sand.u32 $0x4000, s31;
	s1 =	sadd.s32 s1, s30  }
0xba: {  	s0 =	sor.u32 s3, s0;
	s1 =	sshll.u32 s1, $0x11  }
0xbb: {  	s0 =	sor.u32 s1, s0  }
0xbc: {  	s0 =	sadd.s32 $0x8F2B, s0  }
0xbd: {  	[sflag:s0] =	ssyncadd.remote.s32 $0x1  }
0xbe: {  	_ =	sfence.sel $0xFFFF  }
0xbf: {  	[dreg:$0x0] =	wrdreg $0xFFFFFFFF;
	(pc) =	sbr.abs _section_cstart, $3  }
0xc0: {  	[dreg:$0x1] =	wrdreg $0xFFFFFFFF  }
0xc1: {  	_ =	task.clear_ibuf [dreg:s7], $0x2FFFF;
	_ =	strace $0x9FFFFFFF  }
0xc2: {  	(tm) =	ssettm $0x7FFFFFFF  }
0xc3: {  	_ =	shalt  }
tec
execute0_lowered:
.L_overlay_start_1:
0x0: {  	(tag) =	ssettag $0x1  }
0x1: {  	s0 =	rddreg [dreg:$0x0]  }
0x2: {  	s1 =	srdreg.scid;
	s2 =	stileid.u32  }
0x3: {  	s3 =	simm.s32 $0x0;
	s9 =	simm.s32 $0x5;
	s10 =	simm.s32 $0xC8  }
0x4: {  	s11 =	simm.s32 $0x8000;
	s13 =	simm.s32 $0x9900;
	s14 =	simm.s32 $0x200  }
0x5: {  	s15 =	simm.s32 $0xB200;
	s16 =	simm.s32 $0x300;
	s17 =	simm.s32 $0xCB00  }
0x6: {  	s18 =	simm.s32 $0xE400;
	s19 =	simm.s32 $0xFD00;
	s20 =	simm.s32 $0x11600  }
0x7: {  	s21 =	simm.s32 $0x12F00;
	s22 =	simm.s32 $0x1;
	s23 =	simm.s32 $0x2  }
0x8: {  	s24 =	simm.s32 $0x15820;
	s25 =	simm.s32 $0x3;
	s26 =	simm.s32 $0x4  }
0x9: {  	s28 =	simm.s32 $0x14800;
	s1 =	sand.u32 $0x1, s1;
	s2 =	sshll.u32 s2, $0x1  }
0xa: {  	s29 =	simm.s32 $0x0;
	[smem:$0x7FF] =	sst s3;
	s2 =	sor.u32 s1, s2  }
0xb: {  	_ =	strace $0x80000047;
	s1 =	ssub.s32 $0x2, s1;
	s4 =	sshll.u32 s2, $0xC  }
0xc: {  	s2 =	sshll.u32 s2, $0x9;
	s6 =	sshrl.u32 s1, $0x1;
	s5 =	sadd.s32 s4, s0  }
0xd: {  	s4 =	sadd.s32 $0x20600, s0;
	s0 =	sadd.s32 s2, s0;
	s1 =	ssub.s32 s1, s6  }
0xe: {  	v0 =	vimm.s32 $0x0;
	v1 =	vimm.s32 $0x4;
	s5 =	sadd.s32 $0x600, s5;
	s6 =	sadd.s32 $0x82200, s0;
	s7 =	smax.u32 s1, $0x1  }
.LBB2_1:
0xf: {  	s0 =	rddreg [dreg:$0x1];
	s1 =	simm.s32 $0x15800  }
0x10: {  	[tilespmem:s1], [sflag:$0x5] =	stream.linear.gather [hbm4b:s0+s3], $0x20, $0x38;
	[tilespmem:$0x15830] =	vst v63  }
0x11: {  	_ =	swait.ge [sflag:s9], $0x20  }
0x12: {  	[sflag:s9] =	ssyncset.done $0x0  }
0x13: {  	[sflag:s9] =	ssyncadd.s32 $0xFFFFFFE0  }
0x14: {  	[tilespmem:s3], [sflag:$0x5] =	stream.linear.gather [hbm4b:s5+s3], $0x8000, $0x38;
	[tilespmem:$0x15830] =	vst v63  }
0x15: {  	_ =	swait.ge [sflag:s9], $0x8000  }
0x16: {  	[sflag:s9] =	ssyncset.done $0x0  }
0x17: {  	s0 =	simm.s32 $0x0;
	[sflag:s9] =	ssyncadd.s32 $0xFFFF8000  }
0x18: {  	v2 =	vld [tilespmem:s0+$0x0];
	_ =	sdelay $0x3  }
0x19: {  	v4 =	vld [tilespmem:s0+$0x10]  }
0x1a: {  	vm0 =	vgt.s32 v2, $0x61A7;
	vm1 =	vgt.s32 v2, $0xC34F  }
0x1b: {  	vm2 =	vgt.s32 v2, $0x124F7;
	v3 =	vsel vm0, $0x1, v0;
	v5 =	vsel vm1, $0x1, v0  }
0x1c: {  	v3 =	vadd.s32 v5, v3;
	v5 =	vsel vm2, $0x1, v0  }
0x1d: {  	v6 =	vadd.s32 v5, v3  }
0x1e: {  	vm13 =	vgt.s32 v4, $0x61A7;
	vm14 =	vgt.s32 v4, $0xC34F;
	v3 =	vmul.u32 $0x3FFF9E58, v6  }
0x1f: {  	vm15 =	vgt.s32 v4, $0x124F7;
	v7 =	vsel vm14, $0x1, v0;
	v5 =	vsel vm13, $0x1, v0  }
0x20: {  	v5 =	vadd.s32 v7, v5;
	v7 =	vsel vm15, $0x1, v0;
	v3 =	vadd.s32 v2, v3  }
0x21: {  	v5 =	vadd.s32 v7, v5;
	v2 =	vld [tilespmem:$0x15800];
	v8 =	vshll.u32 v3, $0x2  }
0x22: {  	s2 =	simm.s32 $0x100;
	s1 =	simm.s32 $0x80;
	v3 =	vld [tilespmem:$0x15810];
	v7 =	vadd.s32 v6, v8;
	v6 =	vmul.u32 $0x3FFF9E58, v5  }
.LBB2_2:
0x23: {  	p0 =	sne.s32 s2, $0xF80  }
0x24: {  	s8 =	sshra.s32 s1, $0x2;
	[tilespmem:s0+$0x0] =	vst v7;
	s1 =	smov.u32 s2;
	s2 =	sadd.s32 $0x80, s2  }
0x25: {  	v7 =	vld [tilespmem:s8+$0x0];
	v4 =	vadd.s32 v4, v6  }
0x26: {  	v4 =	vshll.u32 v4, $0x2  }
0x27: {  	v4 =	vadd.s32 v5, v4  }
0x28: {  	[tilespmem:s0+$0x10] =	vst v4;
	s0 =	smov.u32 s8  }
0x29: {  	v4 =	vld [tilespmem:s0+$0x10]  }
0x2a: {  	vm0 =	vgt.s32 v7, $0x61A7;
	vm1 =	vgt.s32 v7, $0xC34F;
	vm2 =	vgt.s32 v7, $0x124F7  }
0x2b: {  	v5 =	vsel vm0, $0x1, v0;
	v6 =	vsel vm1, $0x1, v0  }
0x2c: {  	v5 =	vadd.s32 v6, v5;
	v6 =	vsel vm2, $0x1, v0  }
0x2d: {  	v6 =	vadd.s32 v6, v5  }
.Ltmp0:
0x2e: {  	v5 =	vmul.u32 $0x3FFF9E58, v6;
	vm0 =	vgt.s32 v4, $0x61A7;
	vm1 =	vgt.s32 v4, $0xC34F;
	(pc) =	sbr.rel @p0 .LBB2_2-.Ltmp0, $4  }
0x2f: {  	v8 =	vsel vm0, $0x1, v0;
	v9 =	vsel vm1, $0x1, v0;
	vm0 =	vgt.s32 v4, $0x124F7  }
0x30: {  	v5 =	vadd.s32 v7, v5;
	v7 =	vadd.s32 v9, v8;
	v8 =	vsel vm0, $0x1, v0  }
0x31: {  	v9 =	vshll.u32 v5, $0x2;
	v5 =	vadd.s32 v8, v7  }
0x32: {  	v7 =	vadd.s32 v6, v9;
	v6 =	vmul.u32 $0x3FFF9E58, v5  }
0x33: {  	_ = 	snop  }
0x34: {  	s1 =	sshra.s32 s1, $0x2;
	[tilespmem:s0+$0x0] =	vst v7;
	v4 =	vadd.s32 v4, v6  }
0x35: {  	v6 =	vld [tilespmem:s1+$0x0];
	v4 =	vshll.u32 v4, $0x2  }
0x36: {  	v4 =	vadd.s32 v5, v4  }
0x37: {  	[tilespmem:s0+$0x10] =	vst v4  }
0x38: {  	v4 =	vld [tilespmem:s1+$0x10];
	_ =	sdelay $0x1  }
0x39: {  	vm0 =	vgt.s32 v6, $0x61A7;
	vm1 =	vgt.s32 v6, $0xC34F  }
0x3a: {  	v5 =	vsel vm0, $0x1, v0;
	v7 =	vsel vm1, $0x1, v0  }
0x3b: {  	vm7 =	vgt.s32 v6, $0x124F7;
	v5 =	vadd.s32 v7, v5  }
0x3c: {  	v7 =	vsel vm7, $0x1, v0;
	vm8 =	vgt.s32 v4, $0x61A7;
	vm9 =	vgt.s32 v4, $0xC34F  }
0x3d: {  	vm10 =	vgt.s32 v4, $0x124F7;
	v8 =	vsel vm8, $0x1, v0;
	v9 =	vsel vm9, $0x1, v0  }
0x3e: {  	v5 =	vadd.s32 v7, v5;
	v7 =	vadd.s32 v9, v8;
	v8 =	vsel vm10, $0x1, v0  }
0x3f: {  	v61 =	vmul.u32 $0x3FFF9E58, v5;
	v7 =	vadd.s32 v8, v7  }
0x40: {  	v8 =	vmul.u32 $0x3FFF9E58, v7  }
0x41: {  	v6 =	vadd.s32 v6, v61  }
0x42: {  	v6 =	vshll.u32 v6, $0x2;
	v4 =	vadd.s32 v4, v8  }
0x43: {  	v5 =	vadd.s32 v5, v6;
	v4 =	vshll.u32 v4, $0x2  }
0x44: {  	[tilespmem:s1+$0x0] =	vst v5;
	v4 =	vadd.s32 v7, v4  }
0x45: {  	s30 =	simm.s32 $0x0;
	[tilespmem:s1+$0x10] =	vst v4  }
0x46: {  	[tilespmem:s11], [sflag:$0x1] =	stream.indirect.gather [hbm4b:s4+s10], $0x20, s30, s10, $0xb8;
	[tilespmem:$0x15830] =	vst v63  }
0x47: {  	s31 =	simm.s32 $0x100  }
0x48: {  	[tilespmem:s13], [sflag:$0x2] =	stream.indirect.gather [hbm4b:s4+s10], $0x20, s31, s10, $0xb8;
	[tilespmem:$0x15830] =	vst v63  }
0x49: {  	_ = 	snop  }
0x4a: {  	[tilespmem:s15], [sflag:$0x1] =	stream.indirect.gather [hbm4b:s4+s10], $0x20, s14, s10, $0xb8;
	[tilespmem:$0x15830] =	vst v63  }
0x4b: {  	s0 =	simm.s32 $0x0  }
0x4c: {  	[tilespmem:s17], [sflag:$0x2] =	stream.indirect.gather [hbm4b:s4+s10], $0x20, s16, s10, $0xb8;
	[tilespmem:$0x15830] =	vst v63  }
0x4d: {  	v5 =	vld [tilespmem:s0+$0x400];
	_ =	sdelay $0x3  }
0x4e: {  	v4 =	vld [tilespmem:s0+$0x410]  }
0x4f: {  	vm11 =	vgt.s32 v5, $0x61A7;
	vm12 =	vgt.s32 v5, $0xC34F  }
0x50: {  	vm2 =	vgt.s32 v5, $0x124F7;
	v6 =	vsel vm11, $0x1, v0;
	v7 =	vsel vm12, $0x1, v0  }
0x51: {  	v6 =	vadd.s32 v7, v6;
	v7 =	vsel vm2, $0x1, v0  }
0x52: {  	v6 =	vadd.s32 v7, v6  }
0x53: {  	vm13 =	vgt.s32 v4, $0x61A7;
	vm14 =	vgt.s32 v4, $0xC34F;
	v7 =	vmul.u32 $0x3FFF9E58, v6  }
0x54: {  	vm15 =	vgt.s32 v4, $0x124F7;
	v8 =	vsel vm13, $0x1, v0;
	v62 =	vsel vm14, $0x1, v0  }
0x55: {  	v5 =	vadd.s32 v5, v7;
	v7 =	vadd.s32 v62, v8;
	v8 =	vsel vm15, $0x1, v0  }
0x56: {  	v63 =	vshll.u32 v5, $0x2;
	v5 =	vadd.s32 v8, v7  }
0x57: {  	s2 =	simm.s32 $0x100;
	s1 =	simm.s32 $0x80;
	v7 =	vadd.s32 v6, v63;
	v6 =	vmul.u32 $0x3FFF9E58, v5  }
.LBB2_4:
0x58: {  	p0 =	sne.s32 s2, $0xF80  }
0x59: {  	s8 =	sshra.s32 s1, $0x2;
	[tilespmem:s0+$0x400] =	vst v7;
	s1 =	smov.u32 s2;
	s2 =	sadd.s32 $0x80, s2  }
0x5a: {  	v7 =	vld [tilespmem:s8+$0x400];
	v4 =	vadd.s32 v4, v6  }
0x5b: {  	v4 =	vshll.u32 v4, $0x2  }
0x5c: {  	v4 =	vadd.s32 v5, v4  }
0x5d: {  	[tilespmem:s0+$0x410] =	vst v4;
	s0 =	smov.u32 s8  }
0x5e: {  	v4 =	vld [tilespmem:s0+$0x410]  }
0x5f: {  	vm0 =	vgt.s32 v7, $0x61A7;
	vm1 =	vgt.s32 v7, $0xC34F;
	vm2 =	vgt.s32 v7, $0x124F7  }
0x60: {  	v5 =	vsel vm0, $0x1, v0;
	v6 =	vsel vm1, $0x1, v0  }
0x61: {  	v5 =	vadd.s32 v6, v5;
	v6 =	vsel vm2, $0x1, v0  }
0x62: {  	v6 =	vadd.s32 v6, v5  }
.Ltmp1:
0x63: {  	v5 =	vmul.u32 $0x3FFF9E58, v6;
	vm0 =	vgt.s32 v4, $0x61A7;
	vm1 =	vgt.s32 v4, $0xC34F;
	(pc) =	sbr.rel @p0 .LBB2_4-.Ltmp1, $4  }
0x64: {  	v8 =	vsel vm0, $0x1, v0;
	v9 =	vsel vm1, $0x1, v0;
	vm0 =	vgt.s32 v4, $0x124F7  }
0x65: {  	v5 =	vadd.s32 v7, v5;
	v7 =	vadd.s32 v9, v8;
	v8 =	vsel vm0, $0x1, v0  }
0x66: {  	v9 =	vshll.u32 v5, $0x2;
	v5 =	vadd.s32 v8, v7  }
0x67: {  	v7 =	vadd.s32 v6, v9;
	v6 =	vmul.u32 $0x3FFF9E58, v5  }
0x68: {  	_ = 	snop  }
0x69: {  	v4 =	vadd.s32 v4, v6  }
0x6a: {  	s1 =	sshra.s32 s1, $0x2;
	[tilespmem:s0+$0x400] =	vst v7;
	v4 =	vshll.u32 v4, $0x2  }
0x6b: {  	v58 =	vld [tilespmem:s1+$0x400];
	v4 =	vadd.s32 v5, v4  }
0x6c: {  	[tilespmem:s0+$0x410] =	vst v4  }
0x6d: {  	v4 =	vld [tilespmem:s1+$0x410];
	_ =	sdelay $0x2  }
0x6e: {  	vm0 =	vgt.s32 v58, $0x61A7;
	vm1 =	vgt.s32 v58, $0xC34F;
	vm12 =	vgt.s32 v58, $0x124F7  }
0x6f: {  	v5 =	vsel vm0, $0x1, v0;
	v59 =	vsel vm1, $0x1, v0;
	v60 =	vsel vm12, $0x1, v0  }
0x70: {  	v5 =	vadd.s32 v59, v5;
	vm13 =	vgt.s32 v4, $0x61A7;
	vm14 =	vgt.s32 v4, $0xC34F  }
0x71: {  	vm15 =	vgt.s32 v4, $0x124F7;
	v8 =	vsel vm13, $0x1, v0;
	v9 =	vsel vm14, $0x1, v0  }
0x72: {  	v5 =	vadd.s32 v60, v5;
	v62 =	vsel vm15, $0x1, v0;
	v61 =	vadd.s32 v9, v8  }
0x73: {  	v63 =	vmul.u32 $0x3FFF9E58, v5;
	v7 =	vadd.s32 v62, v61  }
0x74: {  	v8 =	vmul.u32 $0x3FFF9E58, v7  }
0x75: {  	v6 =	vadd.s32 v58, v63  }
0x76: {  	v6 =	vshll.u32 v6, $0x2;
	v4 =	vadd.s32 v4, v8  }
0x77: {  	v5 =	vadd.s32 v5, v6;
	v4 =	vshll.u32 v4, $0x2  }
0x78: {  	[tilespmem:s1+$0x400] =	vst v5;
	v4 =	vadd.s32 v7, v4  }
0x79: {  	s31 =	simm.s32 $0x0;
	[tilespmem:s1+$0x410] =	vst v4  }
.LBB2_6:
0x7a: {  	s0 =	sshllo.u32 s31, $0x1  }
0x7b: {  	s1 =	sshll.u32 s0, $0xA  }
0x7c: {  	s1 =	sand.u32 $0x3FFFFC00, s1  }
0x7d: {  	[tilespmem:s18], [sflag:$0x3] =	stream.indirect.gather [hbm4b:s4+s10], $0x20, s1, s10, $0xb8;
	[tilespmem:$0x15830] =	vst v63  }
0x7e: {  	p0 =	seq.s32 s31, $0xF;
	s2 =	sor.u32 $0x100, s1  }
0x7f: {  	[tilespmem:s19], [sflag:$0x4] =	stream.indirect.gather [hbm4b:s4+s10], $0x20, s2, s10, $0xb8;
	[tilespmem:$0x15830] =	vst v63  }
.Ltmp2:
0x80: {  	_ = 	snop;
	(pc) =	sbr.rel @p0 .LBB2_10-.Ltmp2, $4  }
0x81: {  	s12 =	sor.u32 $0x200, s1  }
0x82: {  	[tilespmem:s20], [sflag:$0x3] =	stream.indirect.gather [hbm4b:s4+s10], $0x20, s12, s10, $0xb8;
	[tilespmem:$0x15830] =	vst v63  }
0x83: {  	s1 =	sor.u32 $0x300, s1  }
0x84: {  	[tilespmem:s21], [sflag:$0x4] =	stream.indirect.gather [hbm4b:s4+s10], $0x20, s1, s10, $0xb8;
	[tilespmem:$0x15830] =	vst v63  }
0x85: {  	s1 =	sadd.s32 $0x0, s30  }
0x86: {  	v5 =	vld [tilespmem:s1+$0x800];
	_ =	sdelay $0x3  }
0x87: {  	v4 =	vld [tilespmem:s1+$0x810]  }
0x88: {  	vm0 =	vgt.s32 v5, $0x61A7;
	vm1 =	vgt.s32 v5, $0xC34F  }
0x89: {  	vm2 =	vgt.s32 v5, $0x124F7;
	v6 =	vsel vm0, $0x1, v0;
	v7 =	vsel vm1, $0x1, v0  }
0x8a: {  	v6 =	vadd.s32 v7, v6;
	v7 =	vsel vm2, $0x1, v0  }
0x8b: {  	v6 =	vadd.s32 v7, v6  }
0x8c: {  	vm13 =	vgt.s32 v4, $0x61A7;
	vm14 =	vgt.s32 v4, $0xC34F;
	v7 =	vmul.u32 $0x3FFF9E58, v6  }
0x8d: {  	vm15 =	vgt.s32 v4, $0x124F7;
	v8 =	vsel vm13, $0x1, v0;
	v9 =	vsel vm14, $0x1, v0  }
0x8e: {  	v5 =	vadd.s32 v5, v7;
	v7 =	vadd.s32 v9, v8;
	v8 =	vsel vm15, $0x1, v0  }
0x8f: {  	v63 =	vshll.u32 v5, $0x2;
	v5 =	vadd.s32 v8, v7  }
0x90: {  	s2 =	simm.s32 $0x100;
	s8 =	simm.s32 $0x20;
	v7 =	vadd.s32 v6, v63;
	v6 =	vmul.u32 $0x3FFF9E58, v5  }
.LBB2_8:
0x91: {  	p1 =	sne.s32 s2, $0xF80  }
0x92: {  	s8 =	sadd.s32 s8, s30;
	[tilespmem:s1+$0x800] =	vst v7;
	s12 =	smov.u32 s2;
	s2 =	sadd.s32 $0x80, s2  }
0x93: {  	v7 =	vld [tilespmem:s8+$0x800];
	v4 =	vadd.s32 v4, v6  }
0x94: {  	v4 =	vshll.u32 v4, $0x2  }
0x95: {  	v4 =	vadd.s32 v5, v4  }
0x96: {  	[tilespmem:s1+$0x810] =	vst v4;
	s1 =	smov.u32 s8  }
0x97: {  	v4 =	vld [tilespmem:s1+$0x810]  }
0x98: {  	vm0 =	vgt.s32 v7, $0x61A7;
	vm1 =	vgt.s32 v7, $0xC34F;
	vm2 =	vgt.s32 v7, $0x124F7  }
0x99: {  	v5 =	vsel vm0, $0x1, v0;
	v6 =	vsel vm1, $0x1, v0  }
0x9a: {  	v5 =	vadd.s32 v6, v5;
	v6 =	vsel vm2, $0x1, v0  }
0x9b: {  	v6 =	vadd.s32 v6, v5  }
.Ltmp3:
0x9c: {  	v5 =	vmul.u32 $0x3FFF9E58, v6;
	vm0 =	vgt.s32 v4, $0x61A7;
	vm1 =	vgt.s32 v4, $0xC34F;
	(pc) =	sbr.rel @p1 .LBB2_8-.Ltmp3, $4  }
0x9d: {  	v8 =	vsel vm0, $0x1, v0;
	v9 =	vsel vm1, $0x1, v0;
	vm0 =	vgt.s32 v4, $0x124F7  }
0x9e: {  	v5 =	vadd.s32 v7, v5;
	v7 =	vadd.s32 v9, v8;
	v8 =	vsel vm0, $0x1, v0  }
0x9f: {  	v9 =	vshll.u32 v5, $0x2;
	v5 =	vadd.s32 v8, v7  }
0xa0: {  	s8 =	sshra.s32 s12, $0x2;
	v7 =	vadd.s32 v6, v9;
	v6 =	vmul.u32 $0x3FFF9E58, v5  }
0xa1: {  	_ = 	snop  }
0xa2: {  	v4 =	vadd.s32 v4, v6  }
0xa3: {  	s2 =	sadd.s32 s8, s30;
	[tilespmem:s1+$0x800] =	vst v7;
	v4 =	vshll.u32 v4, $0x2  }
0xa4: {  	v58 =	vld [tilespmem:s2+$0x800];
	v4 =	vadd.s32 v5, v4  }
0xa5: {  	[tilespmem:s1+$0x810] =	vst v4  }
0xa6: {  	v4 =	vld [tilespmem:s2+$0x810];
	_ =	sdelay $0x2  }
0xa7: {  	vm0 =	vgt.s32 v58, $0x61A7;
	vm1 =	vgt.s32 v58, $0xC34F;
	vm12 =	vgt.s32 v58, $0x124F7  }
0xa8: {  	v5 =	vsel vm0, $0x1, v0;
	v59 =	vsel vm1, $0x1, v0;
	v60 =	vsel vm12, $0x1, v0  }
0xa9: {  	v5 =	vadd.s32 v59, v5;
	vm13 =	vgt.s32 v4, $0x61A7;
	vm14 =	vgt.s32 v4, $0xC34F  }
0xaa: {  	vm15 =	vgt.s32 v4, $0x124F7;
	v8 =	vsel vm13, $0x1, v0;
	v9 =	vsel vm14, $0x1, v0  }
0xab: {  	v5 =	vadd.s32 v60, v5;
	v62 =	vsel vm15, $0x1, v0;
	v61 =	vadd.s32 v9, v8  }
0xac: {  	v63 =	vmul.u32 $0x3FFF9E58, v5;
	v7 =	vadd.s32 v62, v61  }
0xad: {  	v8 =	vmul.u32 $0x3FFF9E58, v7  }
0xae: {  	v6 =	vadd.s32 v58, v63  }
0xaf: {  	v6 =	vshll.u32 v6, $0x2;
	v4 =	vadd.s32 v4, v8  }
0xb0: {  	v5 =	vadd.s32 v5, v6;
	v4 =	vshll.u32 v4, $0x2  }
0xb1: {  	[tilespmem:s2+$0x800] =	vst v5;
	v4 =	vadd.s32 v7, v4  }
0xb2: {  	[tilespmem:s2+$0x810] =	vst v4  }
.LBB2_10:
0xb3: {  	_ =	swait.ge [sflag:s22], $0x1900  }
0xb4: {  	[sflag:s22] =	ssyncset.done $0x0  }
0xb5: {  	[sflag:s22] =	ssyncadd.s32 $0xFFFFE700  }
0xb6: {  	_ =	swait.ge [sflag:s23], $0x1900  }
0xb7: {  	[sflag:s23] =	ssyncset.done $0x0  }
0xb8: {  	[sflag:s23] =	ssyncadd.s32 $0xFFFFE700  }
0xb9: {  	_ =	swait.ge [sflag:s22], $0x1900  }
0xba: {  	[sflag:s22] =	ssyncset.done $0x0  }
0xbb: {  	[sflag:s22] =	ssyncadd.s32 $0xFFFFE700  }
0xbc: {  	_ =	swait.ge [sflag:s23], $0x1900  }
0xbd: {  	[sflag:s23] =	ssyncset.done $0x0  }
0xbe: {  	s8 =	simm.s32 $0xFFFFE700;
	[sflag:s23] =	ssyncadd.s32 $0xFFFFE700  }
0xbf: {  	v4 =	vld [tilespmem:s8+$0xE410]  }
0xc0: {  	v5 =	vld [tilespmem:s8+$0x9900]  }
0xc1: {  	v6 =	vld [tilespmem:s8+$0x9910]  }
0xc2: {  	v10 =	vld [tilespmem:s8+$0xB200]  }
0xc3: {  	v15 =	vld [tilespmem:s8+$0xB210]  }
0xc4: {  	v9 =	vimm.f32 $0.0e+00;
	v13 =	vimm.f32 $0.0e+00;
	v7 =	vld [tilespmem:s8+$0xCB00]  }
0xc5: {  	v8 =	vimm.f32 $0.0e+00;
	v11 =	vimm.f32 $0.0e+00;
	v12 =	vld [tilespmem:s8+$0xCB10];
	v4 =	vadd.f32 v4, v9  }
0xc6: {  	s1 =	simm.s32 $0xFFFFE720;
	s2 =	simm.s32 $0xFFFF9D00;
	v14 =	vadd.f32 v5, v9;
	v16 =	vadd.f32 v6, v9;
	v6 =	vld [tilespmem:s8+$0xE400];
	v5 =	vimm.f32 $0.0e+00  }
.LBB2_11:
0xc7: {  	p1 =	sne.s32 s2, $0xFFFFFF80;
	v17 =	vld [tilespmem:s1+$0xE410];
	v9 =	vadd.f32 v10, v9  }
0xc8: {  	v18 =	vld [tilespmem:s1+$0x9900];
	v13 =	vadd.f32 v15, v13  }
0xc9: {  	v19 =	vld [tilespmem:s1+$0x9910];
	v8 =	vadd.f32 v7, v8  }
.Ltmp4:
0xca: {  	v10 =	vld [tilespmem:s1+$0xB200];
	v11 =	vadd.f32 v12, v11;
	(pc) =	sbr.rel @p1 .LBB2_11-.Ltmp4, $4  }
0xcb: {  	v15 =	vld [tilespmem:s1+$0xB210];
	v5 =	vadd.f32 v6, v5  }
0xcc: {  	v7 =	vld [tilespmem:s1+$0xCB00];
	v4 =	vadd.f32 v17, v4  }
0xcd: {  	v14 =	vadd.f32 v18, v14;
	v12 =	vld [tilespmem:s1+$0xCB10]  }
0xce: {  	v16 =	vadd.f32 v19, v16;
	v6 =	vld [tilespmem:s1+$0xE400];
	s1 =	sshra.s32 s2, $0x2;
	s2 =	sadd.s32 $0x80, s2  }
0xcf: {  	v18 =	vld [tilespmem:s1+$0x9910]  }
0xd0: {  	v17 =	vld [tilespmem:s1+$0xE410]  }
0xd1: {  	v19 =	vld [tilespmem:s1+$0x9900]  }
0xd2: {  	v20 =	vld [tilespmem:s1+$0xB200]  }
0xd3: {  	v21 =	vld [tilespmem:s1+$0xB210]  }
0xd4: {  	v22 =	vld [tilespmem:s1+$0xCB00];
	v16 =	vadd.f32 v18, v16  }
0xd5: {  	v23 =	vld [tilespmem:s1+$0xCB10]  }
0xd6: {  	v58 =	vld [tilespmem:s1+$0xE400];
	[tilespmem:$0x15820] =	vst v16  }
0xd7: {  	v24 =	vld.idx.msk [tilespmem:v1+s24+$0x0], $0xffff;
	_ =	sdelay $0x4  }
0xd8: {  	(erf) = vrcp.f32 v24;
	_ =	sdelay $0x7  }
0xd9: {  	v14 =	vadd.f32 v19, v14  }
0xda: {  	v59 =	vpop (erf)  }
0xdb: {  	v14 =	vmul.f32 v59, v14  }
0xdc: {  	v16 =	vmul.f32 v59, v16  }
0xdd: {  	s12 =	sshll.u32 s31, $0x8;
	v13 =	vadd.f32 v15, v13;
	v14 =	vadd.f32 v14, v2  }
0xde: {  	s1 =	sand.u32 $0x3FFFFF00, s12;
	v60 =	vadd.f32 v16, v3  }
0xdf: {  	v13 =	vadd.f32 v21, v13;
	[tilespmem:s1+$0x14800] =	vst v14  }
0xe0: {  	[tilespmem:s1+$0x14810] =	vst v60  }
0xe1: {  	[tilespmem:$0x15820] =	vst v13  }
0xe2: {  	v14 =	vld.idx.msk [tilespmem:v1+s24+$0x0], $0xffff;
	_ =	sdelay $0x4  }
0xe3: {  	(erf) = vrcp.f32 v14;
	_ =	sdelay $0x5  }
0xe4: {  	v9 =	vadd.f32 v10, v9;
	_ =	sdelay $0x1  }
0xe5: {  	v9 =	vadd.f32 v20, v9  }
0xe6: {  	v61 =	vpop (erf)  }
0xe7: {  	v9 =	vmul.f32 v61, v9  }
0xe8: {  	v10 =	vmul.f32 v61, v13  }
0xe9: {  	v11 =	vadd.f32 v12, v11;
	v9 =	vadd.f32 v9, v2  }
0xea: {  	v10 =	vadd.f32 v10, v3  }
0xeb: {  	v11 =	vadd.f32 v23, v11;
	[tilespmem:s1+$0x14820] =	vst v9  }
0xec: {  	[tilespmem:s1+$0x14830] =	vst v10  }
0xed: {  	[tilespmem:$0x15820] =	vst v11  }
0xee: {  	v9 =	vld.idx.msk [tilespmem:v1+s24+$0x0], $0xffff;
	_ =	sdelay $0x4  }
0xef: {  	(erf) = vrcp.f32 v9;
	_ =	sdelay $0x5  }
0xf0: {  	v7 =	vadd.f32 v7, v8;
	_ =	sdelay $0x1  }
0xf1: {  	v7 =	vadd.f32 v22, v7  }
0xf2: {  	v62 =	vpop (erf)  }
0xf3: {  	v7 =	vmul.f32 v62, v7  }
0xf4: {  	v8 =	vmul.f32 v62, v11  }
0xf5: {  	v7 =	vadd.f32 v7, v2  }
0xf6: {  	v8 =	vadd.f32 v8, v3  }
0xf7: {  	v4 =	vadd.f32 v17, v4;
	[tilespmem:s1+$0x14840] =	vst v7  }
0xf8: {  	[tilespmem:s1+$0x14850] =	vst v8  }
0xf9: {  	[tilespmem:$0x15820] =	vst v4  }
0xfa: {  	v7 =	vld.idx.msk [tilespmem:v1+s24+$0x0], $0xffff;
	_ =	sdelay $0x4  }
0xfb: {  	(erf) = vrcp.f32 v7;
	_ =	sdelay $0x5  }
0xfc: {  	v5 =	vadd.f32 v6, v5;
	_ =	sdelay $0x1  }
0xfd: {  	v5 =	vadd.f32 v58, v5  }
0xfe: {  	v63 =	vpop (erf)  }
0xff: {  	v5 =	vmul.f32 v63, v5  }
.Ltmp5:
0x100: {  	v4 =	vmul.f32 v63, v4;
	(pc) =	sbr.rel @p0 .LBB2_16-.Ltmp5, $4  }
0x101: {  	v5 =	vadd.f32 v5, v2  }
0x102: {  	v4 =	vadd.f32 v4, v3  }
0x103: {  	[tilespmem:s1+$0x14860] =	vst v5  }
0x104: {  	[tilespmem:s1+$0x14870] =	vst v4  }
0x105: {  	s1 =	sshll.u32 s31, $0xD  }
0x106: {  	s1 =	sshra.s32 s1, $0x2  }
0x107: {  	s2 =	sadd.s32 $0x800, s1  }
0x108: {  	[tilespmem:s11], [sflag:$0x1] =	stream.indirect.gather [hbm4b:s4+s10], $0x20, s2, s10, $0xb8;
	[tilespmem:$0x15830] =	vst v63  }
0x109: {  	s8 =	sadd.s32 $0x900, s1  }
0x10a: {  	[tilespmem:s13], [sflag:$0x2] =	stream.indirect.gather [hbm4b:s4+s10], $0x20, s8, s10, $0xb8;
	[tilespmem:$0x15830] =	vst v63  }
0x10b: {  	v4 =	vmov s30;
	s12 =	sadd.s32 $0xA00, s1  }
0x10c: {  	[tilespmem:s15], [sflag:$0x1] =	stream.indirect.gather [hbm4b:s4+s10], $0x20, s12, s10, $0xb8;
	[tilespmem:$0x15830] =	vst v63  }
0x10d: {  	s1 =	sadd.s32 $0xB00, s1  }
0x10e: {  	[tilespmem:s17], [sflag:$0x2] =	stream.indirect.gather [hbm4b:s4+s10], $0x20, s1, s10, $0xb8;
	[tilespmem:$0x15830] =	vst v63  }
0x10f: {  	s1 =	simm.s32 $0x0  }
0x110: {  	v5 =	vld.idx.msk [tilespmem:v4+s1+$0xC00 ss:$0x1], $0xffff;
	_ =	sdelay $0x4  }
0x111: {  	vm0 =	vgt.s32 v5, $0x61A7;
	vm1 =	vgt.s32 v5, $0xC34F  }
0x112: {  	vm2 =	vgt.s32 v5, $0x124F7;
	v6 =	vsel vm0, $0x1, v0;
	v7 =	vsel vm1, $0x1, v0  }
0x113: {  	v6 =	vadd.s32 v7, v6;
	v7 =	vsel vm2, $0x1, v0  }
0x114: {  	v6 =	vadd.s32 v7, v6  }
0x115: {  	v7 =	vmul.u32 $0x3FFF9E58, v6;
	_ =	sdelay $0x1  }
0x116: {  	v5 =	vadd.s32 v5, v7  }
0x117: {  	v5 =	vshll.u32 v5, $0x2  }
0x118: {  	v5 =	vadd.s32 v6, v5  }
0x119: {  	[tilespmem:v4+s1+$0xC00 ss:$0x1] =	vst.idx.msk $0xffff, v5  }
0x11a: {  	v5 =	vld.idx.msk [tilespmem:v4+s1+$0xC10 ss:$0x1], $0xffff;
	_ =	sdelay $0x4  }
0x11b: {  	vm13 =	vgt.s32 v5, $0x61A7;
	vm14 =	vgt.s32 v5, $0xC34F  }
0x11c: {  	vm15 =	vgt.s32 v5, $0x124F7;
	v6 =	vsel vm13, $0x1, v0;
	v7 =	vsel vm14, $0x1, v0  }
0x11d: {  	v6 =	vadd.s32 v7, v6;
	v7 =	vsel vm15, $0x1, v0  }
0x11e: {  	v6 =	vadd.s32 v7, v6  }
0x11f: {  	v7 =	vmul.u32 $0x3FFF9E58, v6;
	_ =	sdelay $0x1  }
0x120: {  	v5 =	vadd.s32 v5, v7  }
0x121: {  	v5 =	vshll.u32 v5, $0x2  }
0x122: {  	s2 =	simm.s32 $0x80;
	s8 =	simm.s32 $0x100;
	v5 =	vadd.s32 v6, v5  }
.LBB2_14:
0x123: {  	p0 =	sne.s32 s8, $0xF80  }
0x124: {  	[tilespmem:v4+s1+$0xC10 ss:$0x1] =	vst.idx.msk $0xffff, v5;
	s1 =	sshra.s32 s2, $0x2;
	s2 =	smov.u32 s8;
	s8 =	sadd.s32 $0x80, s8  }
0x125: {  	v5 =	vld.idx.msk [tilespmem:v4+s1+$0xC00 ss:$0x1], $0xffff;
	_ =	sdelay $0x5  }
0x126: {  	vm0 =	vgt.s32 v5, $0x61A7;
	vm1 =	vgt.s32 v5, $0xC34F;
	vm2 =	vgt.s32 v5, $0x124F7  }
0x127: {  	v6 =	vsel vm0, $0x1, v0;
	v7 =	vsel vm1, $0x1, v0  }
0x128: {  	v6 =	vadd.s32 v7, v6;
	v7 =	vsel vm2, $0x1, v0  }
0x129: {  	v6 =	vadd.s32 v7, v6  }
0x12a: {  	v7 =	vmul.u32 $0x3FFF9E58, v6;
	_ =	sdelay $0x1  }
0x12b: {  	v5 =	vadd.s32 v5, v7  }
0x12c: {  	v5 =	vshll.u32 v5, $0x2  }
0x12d: {  	v5 =	vadd.s32 v6, v5  }
0x12e: {  	[tilespmem:v4+s1+$0xC00 ss:$0x1] =	vst.idx.msk $0xffff, v5  }
0x12f: {  	v5 =	vld.idx.msk [tilespmem:v4+s1+$0xC10 ss:$0x1], $0xffff;
	_ =	sdelay $0x5  }
0x130: {  	vm0 =	vgt.s32 v5, $0x61A7;
	vm1 =	vgt.s32 v5, $0xC34F;
	vm2 =	vgt.s32 v5, $0x124F7  }
0x131: {  	v6 =	vsel vm0, $0x1, v0;
	v7 =	vsel vm1, $0x1, v0  }
0x132: {  	v6 =	vadd.s32 v7, v6;
	v7 =	vsel vm2, $0x1, v0  }
0x133: {  	v6 =	vadd.s32 v7, v6  }
.Ltmp6:
0x134: {  	v7 =	vmul.u32 $0x3FFF9E58, v6;
	(pc) =	sbr.rel @p0 .LBB2_14-.Ltmp6, $4  }
0x135: {  	_ = 	snop  }
0x136: {  	v5 =	vadd.s32 v5, v7  }
0x137: {  	v5 =	vshll.u32 v5, $0x2  }
0x138: {  	v5 =	vadd.s32 v6, v5  }
0x139: {  	_ =	sdelay $0x3  }
0x13a: {  	s2 =	sshra.s32 s2, $0x2;
	[tilespmem:v4+s1+$0xC10 ss:$0x1] =	vst.idx.msk $0xffff, v5  }
0x13b: {  	v5 =	vld.idx.msk [tilespmem:v4+s2+$0xC00 ss:$0x1], $0xffff;
	_ =	sdelay $0x4  }
0x13c: {  	vm0 =	vgt.s32 v5, $0x61A7;
	vm1 =	vgt.s32 v5, $0xC34F  }
0x13d: {  	vm2 =	vgt.s32 v5, $0x124F7;
	v6 =	vsel vm0, $0x1, v0;
	v7 =	vsel vm1, $0x1, v0  }
0x13e: {  	v60 =	vsel vm2, $0x1, v0;
	v6 =	vadd.s32 v7, v6  }
0x13f: {  	v6 =	vadd.s32 v60, v6  }
0x140: {  	v7 =	vmul.u32 $0x3FFF9E58, v6;
	_ =	sdelay $0x1  }
0x141: {  	v5 =	vadd.s32 v5, v7  }
0x142: {  	v5 =	vshll.u32 v5, $0x2  }
0x143: {  	v5 =	vadd.s32 v6, v5  }
0x144: {  	[tilespmem:v4+s2+$0xC00 ss:$0x1] =	vst.idx.msk $0xffff, v5  }
0x145: {  	v5 =	vld.idx.msk [tilespmem:v4+s2+$0xC10 ss:$0x1], $0xffff;
	_ =	sdelay $0x4  }
0x146: {  	vm13 =	vgt.s32 v5, $0x61A7;
	vm14 =	vgt.s32 v5, $0xC34F  }
0x147: {  	vm15 =	vgt.s32 v5, $0x124F7;
	v61 =	vsel vm13, $0x1, v0;
	v62 =	vsel vm14, $0x1, v0  }
0x148: {  	v63 =	vsel vm15, $0x1, v0;
	v6 =	vadd.s32 v62, v61  }
0x149: {  	v6 =	vadd.s32 v63, v6  }
0x14a: {  	v7 =	vmul.u32 $0x3FFF9E58, v6;
	_ =	sdelay $0x1  }
0x14b: {  	v5 =	vadd.s32 v5, v7  }
0x14c: {  	v5 =	vshll.u32 v5, $0x2  }
0x14d: {  	v5 =	vadd.s32 v6, v5  }
0x14e: {  	[tilespmem:v4+s2+$0xC10 ss:$0x1] =	vst.idx.msk $0xffff, v5  }
.LBB2_16:
0x14f: {  	_ =	swait.ge [sflag:s25], $0x1900  }
0x150: {  	[sflag:s25] =	ssyncset.done $0x0  }
0x151: {  	[sflag:s25] =	ssyncadd.s32 $0xFFFFE700  }
0x152: {  	_ =	swait.ge [sflag:s26], $0x1900  }
0x153: {  	[sflag:s26] =	ssyncset.done $0x0  }
0x154: {  	[sflag:s26] =	ssyncadd.s32 $0xFFFFE700  }
0x155: {  	_ =	swait.ge [sflag:s25], $0x1900  }
0x156: {  	[sflag:s25] =	ssyncset.done $0x0  }
0x157: {  	[sflag:s25] =	ssyncadd.s32 $0xFFFFE700  }
0x158: {  	_ =	swait.ge [sflag:s26], $0x1900  }
0x159: {  	[sflag:s26] =	ssyncset.done $0x0  }
0x15a: {  	s8 =	simm.s32 $0xFFFFE700;
	[sflag:s26] =	ssyncadd.s32 $0xFFFFE700  }
0x15b: {  	v4 =	vld [tilespmem:s8+$0x14810]  }
0x15c: {  	v5 =	vld [tilespmem:s8+$0xFD00]  }
0x15d: {  	v6 =	vld [tilespmem:s8+$0xFD10]  }
0x15e: {  	v10 =	vld [tilespmem:s8+$0x11600]  }
0x15f: {  	v15 =	vld [tilespmem:s8+$0x11610]  }
0x160: {  	v9 =	vimm.f32 $0.0e+00;
	v13 =	vimm.f32 $0.0e+00;
	v7 =	vld [tilespmem:s8+$0x12F00]  }
0x161: {  	v8 =	vimm.f32 $0.0e+00;
	v11 =	vimm.f32 $0.0e+00;
	v12 =	vld [tilespmem:s8+$0x12F10];
	v4 =	vadd.f32 v4, v9  }
0x162: {  	s1 =	simm.s32 $0xFFFFE720;
	s2 =	simm.s32 $0xFFFF9D00;
	v14 =	vadd.f32 v5, v9;
	v16 =	vadd.f32 v6, v9;
	v6 =	vld [tilespmem:s8+$0x14800];
	v5 =	vimm.f32 $0.0e+00  }
.LBB2_17:
0x163: {  	p0 =	sne.s32 s2, $0xFFFFFF80;
	v17 =	vld [tilespmem:s1+$0x14810];
	v9 =	vadd.f32 v10, v9  }
0x164: {  	v18 =	vld [tilespmem:s1+$0xFD00];
	v13 =	vadd.f32 v15, v13  }
0x165: {  	v19 =	vld [tilespmem:s1+$0xFD10];
	v8 =	vadd.f32 v7, v8  }
.Ltmp7:
0x166: {  	v10 =	vld [tilespmem:s1+$0x11600];
	v11 =	vadd.f32 v12, v11;
	(pc) =	sbr.rel @p0 .LBB2_17-.Ltmp7, $4  }
0x167: {  	v15 =	vld [tilespmem:s1+$0x11610];
	v5 =	vadd.f32 v6, v5  }
0x168: {  	v7 =	vld [tilespmem:s1+$0x12F00];
	v4 =	vadd.f32 v17, v4  }
0x169: {  	v14 =	vadd.f32 v18, v14;
	v12 =	vld [tilespmem:s1+$0x12F10]  }
0x16a: {  	v16 =	vadd.f32 v19, v16;
	v6 =	vld [tilespmem:s1+$0x14800];
	s1 =	sshra.s32 s2, $0x2;
	s2 =	sadd.s32 $0x80, s2  }
0x16b: {  	v18 =	vld [tilespmem:s1+$0xFD10]  }
0x16c: {  	v17 =	vld [tilespmem:s1+$0x14810]  }
0x16d: {  	v19 =	vld [tilespmem:s1+$0xFD00]  }
0x16e: {  	v20 =	vld [tilespmem:s1+$0x11600]  }
0x16f: {  	v21 =	vld [tilespmem:s1+$0x11610]  }
0x170: {  	v22 =	vld [tilespmem:s1+$0x12F00];
	v16 =	vadd.f32 v18, v16  }
0x171: {  	v23 =	vld [tilespmem:s1+$0x12F10]  }
0x172: {  	v58 =	vld [tilespmem:s1+$0x14800];
	[tilespmem:$0x15820] =	vst v16  }
0x173: {  	v24 =	vld.idx.msk [tilespmem:v1+s24+$0x0], $0xffff;
	_ =	sdelay $0x4  }
0x174: {  	(erf) = vrcp.f32 v24;
	_ =	sdelay $0x7  }
0x175: {  	v14 =	vadd.f32 v19, v14  }
0x176: {  	v59 =	vpop (erf)  }
0x177: {  	v14 =	vmul.f32 v59, v14  }
0x178: {  	v16 =	vmul.f32 v59, v16  }
0x179: {  	s0 =	sshll.u32 s0, $0x7;
	v13 =	vadd.f32 v15, v13;
	v14 =	vadd.f32 v14, v2  }
0x17a: {  	s0 =	sand.u32 $0x3FFFFF80, s0;
	v60 =	vadd.f32 v16, v3  }
0x17b: {  	v13 =	vadd.f32 v21, v13;
	[tilespmem:s0+$0x14800] =	vst v14  }
0x17c: {  	[tilespmem:s0+$0x14810] =	vst v60  }
0x17d: {  	[tilespmem:$0x15820] =	vst v13  }
0x17e: {  	v14 =	vld.idx.msk [tilespmem:v1+s24+$0x0], $0xffff;
	_ =	sdelay $0x4  }
0x17f: {  	(erf) = vrcp.f32 v14;
	_ =	sdelay $0x5  }
0x180: {  	v9 =	vadd.f32 v10, v9;
	_ =	sdelay $0x1  }
0x181: {  	v9 =	vadd.f32 v20, v9  }
0x182: {  	v61 =	vpop (erf)  }
0x183: {  	v9 =	vmul.f32 v61, v9  }
0x184: {  	v10 =	vmul.f32 v61, v13  }
0x185: {  	v11 =	vadd.f32 v12, v11;
	v9 =	vadd.f32 v9, v2  }
0x186: {  	v10 =	vadd.f32 v10, v3  }
0x187: {  	v11 =	vadd.f32 v23, v11;
	[tilespmem:s0+$0x14820] =	vst v9  }
0x188: {  	[tilespmem:s0+$0x14830] =	vst v10  }
0x189: {  	[tilespmem:$0x15820] =	vst v11  }
0x18a: {  	v9 =	vld.idx.msk [tilespmem:v1+s24+$0x0], $0xffff;
	_ =	sdelay $0x4  }
0x18b: {  	(erf) = vrcp.f32 v9;
	_ =	sdelay $0x5  }
0x18c: {  	v7 =	vadd.f32 v7, v8;
	_ =	sdelay $0x1  }
0x18d: {  	v7 =	vadd.f32 v22, v7  }
0x18e: {  	v62 =	vpop (erf)  }
0x18f: {  	v7 =	vmul.f32 v62, v7  }
0x190: {  	v8 =	vmul.f32 v62, v11  }
0x191: {  	v7 =	vadd.f32 v7, v2  }
0x192: {  	v8 =	vadd.f32 v8, v3  }
0x193: {  	v4 =	vadd.f32 v17, v4;
	[tilespmem:s0+$0x14840] =	vst v7  }
0x194: {  	[tilespmem:s0+$0x14850] =	vst v8  }
0x195: {  	[tilespmem:$0x15820] =	vst v4  }
0x196: {  	v7 =	vld.idx.msk [tilespmem:v1+s24+$0x0], $0xffff;
	_ =	sdelay $0x4  }
0x197: {  	(erf) = vrcp.f32 v7;
	_ =	sdelay $0x5  }
0x198: {  	v5 =	vadd.f32 v6, v5;
	_ =	sdelay $0x1  }
0x199: {  	v5 =	vadd.f32 v58, v5  }
0x19a: {  	s31 =	sadd.s32 $0x1, s31;
	v63 =	vpop (erf)  }
0x19b: {  	p0 =	sne.s32 s31, $0x10;
	v5 =	vmul.f32 v63, v5  }
.Ltmp8:
0x19c: {  	v4 =	vmul.f32 v63, v4;
	(pc) =	sbr.rel @p0 .LBB2_6-.Ltmp8, $4  }
0x19d: {  	v5 =	vadd.f32 v5, v2  }
0x19e: {  	v4 =	vadd.f32 v4, v3  }
0x19f: {  	[tilespmem:s0+$0x14860] =	vst v5  }
0x1a0: {  	s30 =	sadd.s32 $0x800, s30;
	[tilespmem:s0+$0x14870] =	vst v4  }
0x1a1: {  	s29 =	sadd.s32 $0x1, s29  }
0x1a2: {  	p0 =	sne.s32 s29, s7  }
.Ltmp9:
0x1a3: {  	_ = 	snop;
	(pc) =	sbr.rel @p0 .LBB2_1-.Ltmp9, $4  }
0x1a4: {  	[hbm4b:s6+s3] =	stream.linear.scatter [tilespmem:s28], [sflag:$0x5], $0x1000, $0x38;
	[tilespmem:$0x15830] =	vst v63  }
0x1a5: {  	_ =	swait.ge [sflag:s9], $0x1000  }
0x1a6: {  	[sflag:s9] =	ssyncset.done $0x0  }
0x1a7: {  	[sflag:s9] =	ssyncadd.s32 $0xFFFFF000  }
0x1a8: {  	_ =	sfence.sel $0x180000  }
0x1a9: {  	[bflag:$0x0] =	sbarrier.arrive $0xFFFF  }
0x1aa: {  	_ =	strace $0x90000047  }
0x1ab: {  	s0 =	stileid.u32;
	[bflag:$0x2] =	sbarrier.arrive $0xFFFF  }
0x1ac: {  	p0 =	sne.s32 s0, $0x0;
	s0 =	rddreg [dreg:$0x2]  }
0x1ad: {  	s0 =	sadd.s32 @!p0 $0x100000, s0  }
0x1ae: {  	[sflag:s0] =	ssyncadd.tile.s32 @!p0 $0x1;
	_ =	shalt  }
.Lfunc_end2:
_tile_overlayer_lowered:
.L_overlay_start_2:
0x1af: {  	(tag) =	ssettag $0x2  }
0x1b0: {  	s0 =	rddreg [dreg:$0x0];
	s2 =	stileid.u32  }
0x1b1: {  	s1 =	rddreg [dreg:$0x1];
	p0 =	sne.s32 s2, $0x0  }
0x1b2: {  	s3 =	rddreg [dreg:$0x2];
	[bflag:$0x3] =	sbarrier.arrive $0xFFFF;
	s2 =	simm.s32 @!p0 $0x1C05  }
0x1b3: {  	[timem:s3], [sflag:s2] =	dma.local @!p0 [hbm:s0], s1  }
0x1b4: {  	s0 =	simm.s32 @!p0 $0x5  }
0x1b5: {  	_ =	swait.ge @!p0 [sflag:s0], s1  }
0x1b6: {  	s1 =	ssub.s32 @!p0 $0x0, s1;
	[sflag:s0] =	ssyncset.done @!p0 $0x0  }
0x1b7: {  	[sflag:s0] =	ssyncadd.s32 @!p0 s1  }
0x1b8: {  	[bflag:$0x3] =	sbarrier.arrive $0xFFFF  }
0x1b9: {  	_ =	shalt  }

</sc_bundles>
